<compile_context>
chip_gen: v7x
topology: tpu7x:2x2x1
jax: 0.10.2.dev20260603
libtpu: 0.0.44.dev20260713+nightly
codegen_flags: <defaults>
</compile_context>

<pallas_src>
import math

import jax
import jax.numpy as jnp
from jax import lax
from jax.experimental import pallas as pl
from jax.experimental.pallas import tpu as pltpu
from jax.experimental.pallas import tpu_sc as plsc

_CUTOFF = 10.0
_NG = 50
_NF = 128
_N = 10000
_E = 320000

_NC = 2
_NS = 16
_NW = _NC * _NS
_EPW = _E // _NW
_C = 80
_NCH = _EPW // _C
_L = 16
_RPS = _N // _NS
_RPP = 640
_ZR = 128
_NP = _NS * _RPP


def _ssp(x):
    return jnp.maximum(x, 0.0) + jnp.log(1.0 + jnp.exp(-jnp.abs(x))) - math.log(2.0)



def _d2_body(px_h, py_h, pz_h, row_h, col_h, d2_h, px, py, pz, row_v, col_v, d2_v):
    c = lax.axis_index("c")
    s = lax.axis_index("s")
    wid = s * _NC + c
    base = wid * _EPW
    pltpu.sync_copy(px_h, px)
    pltpu.sync_copy(py_h, py)
    pltpu.sync_copy(pz_h, pz)
    pltpu.sync_copy(row_h.at[pl.ds(base, _EPW)], row_v)
    pltpu.sync_copy(col_h.at[pl.ds(base, _EPW)], col_v)

    def body(g, carry):
        sl = pl.ds(g * _L, _L)
        ri = row_v[sl]
        ci = col_v[sl]
        dx = plsc.load_gather(px, [ri]) - plsc.load_gather(px, [ci])
        dy = plsc.load_gather(py, [ri]) - plsc.load_gather(py, [ci])
        dz = plsc.load_gather(pz, [ri]) - plsc.load_gather(pz, [ci])
        d2_v[sl] = dx * dx + dy * dy + dz * dz
        return carry

    lax.fori_loop(0, _EPW // _L, body, 0)
    pltpu.sync_copy(d2_v, d2_h.at[pl.ds(base, _EPW)])



def _msg_body(x_h, we_h, idx2_h, zer_h, out_h,
              ib0, ib1, xg0, xg1, we0, we1, agg,
              is0, is1, g0, g1, l0, l1):
    c = lax.axis_index("c")
    s = lax.axis_index("s")
    wid = s * _NC + c
    ebase = wid * _EPW
    pltpu.sync_copy(zer_h, agg.at[pl.ds(s * _RPP, _RPP)])
    plsc.subcore_barrier()

    ib = (ib0, ib1)
    xg = (xg0, xg1)
    wev = (we0, we1)
    isem = (is0, is1)
    gsem = (g0, g1)
    lsem = (l0, l1)

    def start_idx(j, b):
        pltpu.async_copy(idx2_h.at[wid, j], ib[b], isem[b])

    def wait_idx(b):
        pltpu.make_async_copy(idx2_h.at[wid, 0], ib[b], isem[b]).wait()

    def start_data(j, b):
        pltpu.async_copy(x_h.at[ib[b].at[0]], xg[b], gsem[b])
        pltpu.async_copy(we_h.at[pl.ds(ebase + j * _C, _C)], wev[b], lsem[b])

    def wait_data(b):
        pltpu.make_async_copy(x_h.at[ib[b].at[0]], xg[b], gsem[b]).wait()
        pltpu.make_async_copy(we_h.at[pl.ds(ebase, _C)], wev[b],
                              lsem[b]).wait()

    def mul(b):
        xgb, web = xg[b], wev[b]

        @plsc.parallel_loop(0, _C, 1, unroll=2)
        def mul_e(e):
            for k8 in range(_NF // _L):
                sl = pl.ds(k8 * _L, _L)
                xgb[e, sl] = xgb[e, sl] * web[e, sl]

    def scat(b):
        pltpu.sync_copy(xg[b], agg.at[ib[b].at[1]], add=True)

    pltpu.sync_copy(idx2_h.at[wid, 0], ib0)
    start_idx(1, 1)
    start_data(0, 0)

    def pair(j2, carry):
        ja = 2 * j2
        wait_idx(1)
        start_data(ja + 1, 1)
        wait_data(0)
        mul(0)
        scat(0)
        start_idx(ja + 2, 0)

        jb = ja + 1
        wait_idx(0)
        start_data(jb + 1, 0)
        wait_data(1)
        mul(1)
        scat(1)

        @pl.when(j2 < (_NCH - 3) // 2)
        def _():
            start_idx(jb + 2, 1)

        return carry

    lax.fori_loop(0, (_NCH - 1) // 2, pair, 0)

    wait_data(0)
    mul(0)
    scat(0)

    plsc.subcore_barrier()
    pltpu.sync_copy(agg.at[pl.ds(s * _RPP, _RPP)], out_h.at[wid])



def _lin1_body(h_ref, w_ref, out_ref):
    out_ref[...] = jnp.dot(h_ref[...], w_ref[...],
                           preferred_element_type=jnp.float32)


def _wcw_body(d2_ref, w_ref, cw_ref):
    d2 = d2_ref[...]
    w = jnp.sqrt(d2 + 1e-12)
    w_ref[...] = w
    cw_ref[...] = 0.5 * (jnp.cos(w * (math.pi / _CUTOFF)) + 1.0)


def _we_body(w_ref_in, cw_ref_in, w1_ref, b1_ref, w2_ref, b2_ref, out_ref):
    i = pl.program_id(0)
    wrow = w_ref_in[pl.ds(i, 1), :]
    cwrow = cw_ref_in[pl.ds(i, 1), :]
    step = _CUTOFF / (_NG - 1)
    coeff = -0.5 / (step * step)
    offs = lax.broadcasted_iota(jnp.int32, (_NG, 1), 0).astype(jnp.float32) * step
    ea_t = jnp.exp(coeff * (wrow - offs) ** 2)
    t = lax.dot_general(ea_t, w1_ref[...], (((0,), (0,)), ((), ())),
                        preferred_element_type=jnp.float32)
    t = _ssp(t + b1_ref[...])
    t = jnp.dot(t, w2_ref[...], preferred_element_type=jnp.float32)
    t = t + b2_ref[...]
    cwcol = lax.dot_general(cwrow, jnp.ones((1, 1), jnp.float32),
                            (((0,), (0,)), ((), ())),
                            preferred_element_type=jnp.float32)
    out_ref[...] = t * cwcol


def _tail_body(p_ref, w2_ref, b2_ref, wl_ref, bl_ref, out_ref):
    agg = p_ref[0] + p_ref[1]
    t = jnp.dot(agg, w2_ref[...], preferred_element_type=jnp.float32)
    t = _ssp(t + b2_ref[...])
    out_ref[...] = jnp.dot(t, wl_ref[...],
                           preferred_element_type=jnp.float32) + bl_ref[...]


_BE = 2560
_BN = 2000

_sc_mesh = plsc.VectorSubcoreMesh(core_axis_name="c", subcore_axis_name="s")

_d2_call = pl.kernel(
    _d2_body,
    out_type=jax.ShapeDtypeStruct((_E,), jnp.float32),
    mesh=_sc_mesh,
    compiler_params=pltpu.CompilerParams(needs_layout_passes=False),
    scratch_types=[
        pltpu.VMEM((_N,), jnp.float32),
        pltpu.VMEM((_N,), jnp.float32),
        pltpu.VMEM((_N,), jnp.float32),
        pltpu.VMEM((_EPW,), jnp.int32),
        pltpu.VMEM((_EPW,), jnp.int32),
        pltpu.VMEM((_EPW,), jnp.float32),
    ],
)

_msg_call = pl.kernel(
    _msg_body,
    out_type=jax.ShapeDtypeStruct((_NW, _RPP, _NF), jnp.float32),
    mesh=_sc_mesh,
    compiler_params=pltpu.CompilerParams(needs_layout_passes=False),
    scratch_types=[
        pltpu.VMEM((2, _C), jnp.int32),
        pltpu.VMEM((2, _C), jnp.int32),
        pltpu.VMEM((_C, _NF), jnp.float32),
        pltpu.VMEM((_C, _NF), jnp.float32),
        pltpu.VMEM((_C, _NF), jnp.float32),
        pltpu.VMEM((_C, _NF), jnp.float32),
        pltpu.VMEM_SHARED((_NP, _NF), jnp.float32),
    ] + [pltpu.SemaphoreType.DMA] * 6,
)


def kernel(h, pos, edge_index, W1, b1, W2, b2, Wlin1, Wlin2, blin2, Wlin, blin):
    row = edge_index[0]
    col = edge_index[1]

    d2 = _d2_call(pos[:, 0], pos[:, 1], pos[:, 2], row, col)

    x = pl.pallas_call(
        _lin1_body,
        grid=(_N // _BN,),
        in_specs=[
            pl.BlockSpec((_BN, _NF), lambda i: (i, 0)),
            pl.BlockSpec((_NF, _NF), lambda i: (0, 0)),
        ],
        out_specs=pl.BlockSpec((_BN, _NF), lambda i: (i, 0)),
        out_shape=jax.ShapeDtypeStruct((_N, _NF), jnp.float32),
    )(h, Wlin1)

    warr, cwarr = pl.pallas_call(
        _wcw_body,
        out_shape=[
            jax.ShapeDtypeStruct((8, _E // 8), jnp.float32),
            jax.ShapeDtypeStruct((8, _E // 8), jnp.float32),
        ],
    )(d2.reshape(8, _E // 8))

    we = pl.pallas_call(
        _we_body,
        grid=(_E // _BE,),
        in_specs=[
            pl.BlockSpec((_E // _BE, _BE), lambda i: (0, 0)),
            pl.BlockSpec((_E // _BE, _BE), lambda i: (0, 0)),
            pl.BlockSpec((_NG, _NF), lambda i: (0, 0)),
            pl.BlockSpec((1, _NF), lambda i: (0, 0)),
            pl.BlockSpec((_NF, _NF), lambda i: (0, 0)),
            pl.BlockSpec((1, _NF), lambda i: (0, 0)),
        ],
        out_specs=pl.BlockSpec((_BE, _NF), lambda i: (i, 0)),
        out_shape=jax.ShapeDtypeStruct((_E, _NF), jnp.float32),
    )(warr.reshape(_E // _BE, _BE), cwarr.reshape(_E // _BE, _BE), W1,
      b1.reshape(1, _NF), W2, b2.reshape(1, _NF))

    row3 = row.reshape(_NW, _NCH, _C)
    col_p = (col // _RPS) * _RPP + (col % _RPS)
    col3 = col_p.reshape(_NW, _NCH, _C)
    idx2 = jnp.stack([row3, col3], axis=2)
    zer = jnp.zeros((_RPP, _NF), jnp.float32)
    out_sc = _msg_call(x, we, idx2, zer)
    per_core = jnp.moveaxis(out_sc.reshape(_NS, _NC, _RPP, _NF), 1, 0)
    partials = per_core[:, :, :_RPS, :].reshape(_NC, _N, _NF)

    hu = pl.pallas_call(
        _tail_body,
        grid=(_N // _BN,),
        in_specs=[
            pl.BlockSpec((_NC, _BN, _NF), lambda i: (0, i, 0)),
            pl.BlockSpec((_NF, _NF), lambda i: (0, 0)),
            pl.BlockSpec((1, _NF), lambda i: (0, 0)),
            pl.BlockSpec((_NF, _NF), lambda i: (0, 0)),
            pl.BlockSpec((1, _NF), lambda i: (0, 0)),
        ],
        out_specs=pl.BlockSpec((_BN, _NF), lambda i: (i, 0)),
        out_shape=jax.ShapeDtypeStruct((_N, _NF), jnp.float32),
    )(partials, Wlin2, blin2.reshape(1, _NF), Wlin, blin.reshape(1, _NF))

    return (hu, pos)

# --- scband reference (transcript-rebuilt; emitter-appended) ---
"""Pipeline reference for scband-sch-net-interaction-70566312673869 (READ-ONLY COPY).

The authoritative reference and input builder live on the scoring server;
editing this copy changes nothing except your own understanding.
"""

import jax, jax.numpy as jnp
import numpy as np

CUTOFF = 10.0
NUM_GAUSSIANS = 50
HIDDEN = 128
NUM_FILTERS = 128
N_NODES = 10000
N_EDGES = 320000


def _ssp(x):
    # ShiftedSoftplus: softplus(x) - log(2)
    return jax.nn.softplus(x) - jnp.log(2.0)


def setup_inputs(seed: int = 0):
    key = jax.random.key(seed)
    ks = jax.random.split(key, 12)
    h = jax.random.normal(ks[0], (N_NODES, HIDDEN), dtype=jnp.float32)
    pos = jax.random.normal(ks[1], (N_NODES, 3), dtype=jnp.float32)
    edge_index = jax.random.randint(ks[2], (2, N_EDGES), 0, N_NODES, dtype=jnp.int32)
    # CFConv filter-network: Linear(num_gaussians, num_filters) -> SSP -> Linear(num_filters, num_filters)
    W1 = jax.random.normal(ks[3], (NUM_GAUSSIANS, NUM_FILTERS), dtype=jnp.float32) / np.sqrt(NUM_GAUSSIANS)
    b1 = jnp.zeros((NUM_FILTERS,), dtype=jnp.float32)
    W2 = jax.random.normal(ks[4], (NUM_FILTERS, NUM_FILTERS), dtype=jnp.float32) / np.sqrt(NUM_FILTERS)
    b2 = jnp.zeros((NUM_FILTERS,), dtype=jnp.float32)
    # CFConv lin1 (no bias), lin2 (bias)
    Wlin1 = jax.random.normal(ks[5], (HIDDEN, NUM_FILTERS), dtype=jnp.float32) / np.sqrt(HIDDEN)
    Wlin2 = jax.random.normal(ks[6], (NUM_FILTERS, HIDDEN), dtype=jnp.float32) / np.sqrt(NUM_FILTERS)
    blin2 = jnp.zeros((HIDDEN,), dtype=jnp.float32)
    # InteractionBlock final lin (after SSP activation)
    Wlin = jax.random.normal(ks[7], (HIDDEN, HIDDEN), dtype=jnp.float32) / np.sqrt(HIDDEN)
    blin = jnp.zeros((HIDDEN,), dtype=jnp.float32)
    return {"h": h, "pos": pos, "edge_index": edge_index,
            "W1": W1, "b1": b1, "W2": W2, "b2": b2,
            "Wlin1": Wlin1, "Wlin2": Wlin2, "blin2": blin2,
            "Wlin": Wlin, "blin": blin}


def reference(h, pos, edge_index, W1, b1, W2, b2, Wlin1, Wlin2, blin2, Wlin, blin):
    row = edge_index[0]
    col = edge_index[1]
    # edge distances (eps for numerical safety on coincident points)
    diff = pos[row] - pos[col]
    edge_weight = jnp.sqrt(jnp.sum(diff * diff, axis=-1) + 1e-12)
    # GaussianSmearing(0.0, cutoff, num_gaussians)
    offset = jnp.linspace(0.0, CUTOFF, NUM_GAUSSIANS)
    coeff = -0.5 / (offset[1] - offset[0]) ** 2
    edge_attr = jnp.exp(coeff * (edge_weight[:, None] - offset[None, :]) ** 2)
    # CFConv
    C = 0.5 * (jnp.cos(edge_weight * jnp.pi / CUTOFF) + 1.0)
    W_edge = (_ssp(edge_attr @ W1 + b1) @ W2 + b2) * C[:, None]
    x = h @ Wlin1  # lin1, no bias
    msg = x[row] * W_edge  # message: x_j * W, j = source = row
    agg = jax.ops.segment_sum(msg, col, num_segments=h.shape[0])  # scatter-add at dst
    x = agg @ Wlin2 + blin2  # lin2
    # InteractionBlock tail: act + lin
    x = _ssp(x)
    h_update = x @ Wlin + blin
    return (h_update, pos)

if __name__ == "__main__":
    import jax
    _d = setup_inputs()
    print(jax.jit(kernel)(*tuple(_d.values())))

</pallas_src>

<mosaic_0001>
#map = affine_map<(d0, d1) -> (0)>
module attributes {stable_mosaic.version = 14 : i64} {
  func.func @_d2_body(%arg0: i32, %arg1: i32, %arg2: memref<10000xf32, #tpu.memory_space<hbm>>, %arg3: memref<10000xf32, #tpu.memory_space<hbm>>, %arg4: memref<10000xf32, #tpu.memory_space<hbm>>, %arg5: memref<320000xi32, #tpu.memory_space<hbm>>, %arg6: memref<320000xi32, #tpu.memory_space<hbm>>, %arg7: memref<320000xf32, #tpu.memory_space<hbm>>, %arg8: memref<10000xf32, #tpu.memory_space<vmem>>, %arg9: memref<10000xf32, #tpu.memory_space<vmem>>, %arg10: memref<10000xf32, #tpu.memory_space<vmem>>, %arg11: memref<10000xi32, #tpu.memory_space<vmem>>, %arg12: memref<10000xi32, #tpu.memory_space<vmem>>, %arg13: memref<10000xf32, #tpu.memory_space<vmem>>) attributes {dimension_semantics = [#tpu.dimension_semantics<core_parallel>, #tpu.dimension_semantics<subcore_parallel>], iteration_bounds = array<i64: 2, 16>, scalar_prefetch = 0 : i64, scratch_operands = 6 : i64, tpu.core_type = #tpu.core_type<sc_vector_subcore>, window_params = [{transform_indices = #map}, {transform_indices = #map}, {transform_indices = #map}, {transform_indices = #map}, {transform_indices = #map}, {transform_indices = #map}]} {
    %mul3A = arith.constant 2 : i32
    %mul3A_0 = arith.muli %arg1, %mul3A : i32
    %add3A = arith.addi %mul3A_0, %arg0 : i32
    %mul3A_1 = arith.constant 10000 : i32
    %mul3A_2 = arith.muli %add3A, %mul3A_1 : i32
    "tpu.region"() ({
      %run_scoped3A = tpu.sem_alloc : memref<!tpu.dma_semaphore, #tpu.memory_space<semaphore_mem>>
      tpu.enqueue_dma source(%arg2 : memref<10000xf32, #tpu.memory_space<hbm>>) target(%arg8 : memref<10000xf32, #tpu.memory_space<vmem>>) target_semaphore(%run_scoped3A : memref<!tpu.dma_semaphore, #tpu.memory_space<semaphore_mem>>)
      tpu.wait_dma2 semaphore(%run_scoped3A : memref<!tpu.dma_semaphore, #tpu.memory_space<semaphore_mem>>) src(%arg2 : memref<10000xf32, #tpu.memory_space<hbm>>) dst(%arg8 : memref<10000xf32, #tpu.memory_space<vmem>>)
      tpu.yield
    }) : () -> ()
    "tpu.region"() ({
      %run_scoped3A = tpu.sem_alloc : memref<!tpu.dma_semaphore, #tpu.memory_space<semaphore_mem>>
      tpu.enqueue_dma source(%arg3 : memref<10000xf32, #tpu.memory_space<hbm>>) target(%arg9 : memref<10000xf32, #tpu.memory_space<vmem>>) target_semaphore(%run_scoped3A : memref<!tpu.dma_semaphore, #tpu.memory_space<semaphore_mem>>)
      tpu.wait_dma2 semaphore(%run_scoped3A : memref<!tpu.dma_semaphore, #tpu.memory_space<semaphore_mem>>) src(%arg3 : memref<10000xf32, #tpu.memory_space<hbm>>) dst(%arg9 : memref<10000xf32, #tpu.memory_space<vmem>>)
      tpu.yield
    }) : () -> ()
    "tpu.region"() ({
      %run_scoped3A = tpu.sem_alloc : memref<!tpu.dma_semaphore, #tpu.memory_space<semaphore_mem>>
      tpu.enqueue_dma source(%arg4 : memref<10000xf32, #tpu.memory_space<hbm>>) target(%arg10 : memref<10000xf32, #tpu.memory_space<vmem>>) target_semaphore(%run_scoped3A : memref<!tpu.dma_semaphore, #tpu.memory_space<semaphore_mem>>)
      tpu.wait_dma2 semaphore(%run_scoped3A : memref<!tpu.dma_semaphore, #tpu.memory_space<semaphore_mem>>) src(%arg4 : memref<10000xf32, #tpu.memory_space<hbm>>) dst(%arg10 : memref<10000xf32, #tpu.memory_space<vmem>>)
      tpu.yield
    }) : () -> ()
    "tpu.region"() ({
      %run_scoped3A = tpu.sem_alloc : memref<!tpu.dma_semaphore, #tpu.memory_space<semaphore_mem>>
      %dma_start3A = tpu.memref_slice %arg5[%mul3A_2] : memref<320000xi32, #tpu.memory_space<hbm>> -> memref<10000xi32, #tpu.memory_space<hbm>>
      %dma_start3A_8 = tpu.memref_slice %arg5[%mul3A_2] : memref<320000xi32, #tpu.memory_space<hbm>> -> memref<10000xi32, #tpu.memory_space<hbm>>
      tpu.enqueue_dma source(%dma_start3A_8 : memref<10000xi32, #tpu.memory_space<hbm>>) target(%arg11 : memref<10000xi32, #tpu.memory_space<vmem>>) target_semaphore(%run_scoped3A : memref<!tpu.dma_semaphore, #tpu.memory_space<semaphore_mem>>)
      %dma_wait3A = tpu.memref_slice %arg5[%mul3A_2] : memref<320000xi32, #tpu.memory_space<hbm>> -> memref<10000xi32, #tpu.memory_space<hbm>>
      %dma_wait3A_9 = tpu.memref_slice %arg5[%mul3A_2] : memref<320000xi32, #tpu.memory_space<hbm>> -> memref<10000xi32, #tpu.memory_space<hbm>>
      tpu.wait_dma2 semaphore(%run_scoped3A : memref<!tpu.dma_semaphore, #tpu.memory_space<semaphore_mem>>) src(%dma_wait3A_9 : memref<10000xi32, #tpu.memory_space<hbm>>) dst(%arg11 : memref<10000xi32, #tpu.memory_space<vmem>>)
      tpu.yield
    }) : () -> ()
    "tpu.region"() ({
      %run_scoped3A = tpu.sem_alloc : memref<!tpu.dma_semaphore, #tpu.memory_space<semaphore_mem>>
      %dma_start3A = tpu.memref_slice %arg6[%mul3A_2] : memref<320000xi32, #tpu.memory_space<hbm>> -> memref<10000xi32, #tpu.memory_space<hbm>>
      %dma_start3A_8 = tpu.memref_slice %arg6[%mul3A_2] : memref<320000xi32, #tpu.memory_space<hbm>> -> memref<10000xi32, #tpu.memory_space<hbm>>
      tpu.enqueue_dma source(%dma_start3A_8 : memref<10000xi32, #tpu.memory_space<hbm>>) target(%arg12 : memref<10000xi32, #tpu.memory_space<vmem>>) target_semaphore(%run_scoped3A : memref<!tpu.dma_semaphore, #tpu.memory_space<semaphore_mem>>)
      %dma_wait3A = tpu.memref_slice %arg6[%mul3A_2] : memref<320000xi32, #tpu.memory_space<hbm>> -> memref<10000xi32, #tpu.memory_space<hbm>>
      %dma_wait3A_9 = tpu.memref_slice %arg6[%mul3A_2] : memref<320000xi32, #tpu.memory_space<hbm>> -> memref<10000xi32, #tpu.memory_space<hbm>>
      tpu.wait_dma2 semaphore(%run_scoped3A : memref<!tpu.dma_semaphore, #tpu.memory_space<semaphore_mem>>) src(%dma_wait3A_9 : memref<10000xi32, #tpu.memory_space<hbm>>) dst(%arg12 : memref<10000xi32, #tpu.memory_space<vmem>>)
      tpu.yield
    }) : () -> ()
    %scan3A = arith.constant 0 : i32
    %scan3A_3 = arith.constant 0 : i32
    %scan3A_4 = arith.constant 625 : i32
    %scan3A_5 = arith.addi %scan3A_3, %scan3A_4 : i32
    %scan3A_6 = arith.constant 1 : i32
    scf.for %scan3A_8 = %scan3A_3 to %scan3A_5 step %scan3A_6  : i32 {
      %mul3A_9 = arith.constant 16 : i32
      %mul3A_10 = arith.muli %scan3A_8, %mul3A_9 : i32
      %get3A = arith.index_cast %mul3A_10 : i32 to index
      %get3A_11 = tpu.vector_load %arg11[%get3A] {strides = array<i32>} : memref<10000xi32, #tpu.memory_space<vmem>>, vector<16xi32>,
      %get3A_12 = arith.index_cast %mul3A_10 : i32 to index
      %get3A_13 = tpu.vector_load %arg12[%get3A_12] {strides = array<i32>} : memref<10000xi32, #tpu.memory_space<vmem>>, vector<16xi32>,
      %gather3A = tpu.vector_load_idx %arg8[%get3A_11] : memref<10000xf32, #tpu.memory_space<vmem>>[vector<16xi32>], vector<16xf32>,
      %gather3A_14 = tpu.vector_load_idx %arg8[%get3A_13] : memref<10000xf32, #tpu.memory_space<vmem>>[vector<16xi32>], vector<16xf32>,
      %sub3A = arith.subf %gather3A, %gather3A_14 : vector<16xf32>
      %gather3A_15 = tpu.vector_load_idx %arg9[%get3A_11] : memref<10000xf32, #tpu.memory_space<vmem>>[vector<16xi32>], vector<16xf32>,
      %gather3A_16 = tpu.vector_load_idx %arg9[%get3A_13] : memref<10000xf32, #tpu.memory_space<vmem>>[vector<16xi32>], vector<16xf32>,
      %sub3A_17 = arith.subf %gather3A_15, %gather3A_16 : vector<16xf32>
      %gather3A_18 = tpu.vector_load_idx %arg10[%get3A_11] : memref<10000xf32, #tpu.memory_space<vmem>>[vector<16xi32>], vector<16xf32>,
      %gather3A_19 = tpu.vector_load_idx %arg10[%get3A_13] : memref<10000xf32, #tpu.memory_space<vmem>>[vector<16xi32>], vector<16xf32>,
      %sub3A_20 = arith.subf %gather3A_18, %gather3A_19 : vector<16xf32>
      %mul3A_21 = arith.mulf %sub3A, %sub3A : vector<16xf32>
      %mul3A_22 = arith.mulf %sub3A_17, %sub3A_17 : vector<16xf32>
      %add3A_23 = arith.addf %mul3A_21, %mul3A_22 : vector<16xf32>
      %mul3A_24 = arith.mulf %sub3A_20, %sub3A_20 : vector<16xf32>
      %add3A_25 = arith.addf %add3A_23, %mul3A_24 : vector<16xf32>
      %swap3A = arith.index_cast %mul3A_10 : i32 to index
      %swap3A_26 = tpu.vector_load %arg13[%swap3A] {strides = array<i32>} : memref<10000xf32, #tpu.memory_space<vmem>>, vector<16xf32>,
      tpu.vector_store %arg13[%swap3A], %add3A_25 {strides = array<i32>} : memref<10000xf32, #tpu.memory_space<vmem>>, vector<16xf32>,
    }
    %scan3A_7 = arith.constant 625 : i32
    "tpu.region"() ({
      %run_scoped3A = tpu.sem_alloc : memref<!tpu.dma_semaphore, #tpu.memory_space<semaphore_mem>>
      %dma_start3A = tpu.memref_slice %arg7[%mul3A_2] : memref<320000xf32, #tpu.memory_space<hbm>> -> memref<10000xf32, #tpu.memory_space<hbm>>
      %dma_start3A_8 = tpu.memref_slice %arg7[%mul3A_2] : memref<320000xf32, #tpu.memory_space<hbm>> -> memref<10000xf32, #tpu.memory_space<hbm>>
      tpu.enqueue_dma source(%arg13 : memref<10000xf32, #tpu.memory_space<vmem>>) target(%dma_start3A_8 : memref<10000xf32, #tpu.memory_space<hbm>>) target_semaphore(%run_scoped3A : memref<!tpu.dma_semaphore, #tpu.memory_space<semaphore_mem>>)
      %dma_wait3A = tpu.memref_slice %arg7[%mul3A_2] : memref<320000xf32, #tpu.memory_space<hbm>> -> memref<10000xf32, #tpu.memory_space<hbm>>
      %dma_wait3A_9 = tpu.memref_slice %arg7[%mul3A_2] : memref<320000xf32, #tpu.memory_space<hbm>> -> memref<10000xf32, #tpu.memory_space<hbm>>
      tpu.wait_dma2 semaphore(%run_scoped3A : memref<!tpu.dma_semaphore, #tpu.memory_space<semaphore_mem>>) src(%arg13 : memref<10000xf32, #tpu.memory_space<vmem>>) dst(%dma_wait3A_9 : memref<10000xf32, #tpu.memory_space<hbm>>)
      tpu.yield
    }) : () -> ()
    return
  }
}

#map = affine_map<(d0, d1) -> (0, 0)>
#map1 = affine_map<(d0, d1) -> (0, 0, 0, 0)>
#map2 = affine_map<(d0, d1) -> (0, 0, 0)>
module attributes {stable_mosaic.version = 14 : i64} {
  func.func @_msg_body(%arg0: i32, %arg1: i32, %arg2: memref<10000x128xf32, #tpu.memory_space<hbm>>, %arg3: memref<320000x128xf32, #tpu.memory_space<hbm>>, %arg4: memref<32x125x2x80xi32, #tpu.memory_space<hbm>>, %arg5: memref<640x128xf32, #tpu.memory_space<hbm>>, %arg6: memref<32x640x128xf32, #tpu.memory_space<hbm>>, %arg7: memref<2x80xi32, #tpu.memory_space<vmem>>, %arg8: memref<2x80xi32, #tpu.memory_space<vmem>>, %arg9: memref<80x128xf32, #tpu.memory_space<vmem>>, %arg10: memref<80x128xf32, #tpu.memory_space<vmem>>, %arg11: memref<80x128xf32, #tpu.memory_space<vmem>>, %arg12: memref<80x128xf32, #tpu.memory_space<vmem>>, %arg13: memref<10240x128xf32, #tpu.memory_space<vmem_shared>>, %arg14: memref<!tpu.dma_semaphore, #tpu.memory_space<semaphore_mem>>, %arg15: memref<!tpu.dma_semaphore, #tpu.memory_space<semaphore_mem>>, %arg16: memref<!tpu.dma_semaphore, #tpu.memory_space<semaphore_mem>>, %arg17: memref<!tpu.dma_semaphore, #tpu.memory_space<semaphore_mem>>, %arg18: memref<!tpu.dma_semaphore, #tpu.memory_space<semaphore_mem>>, %arg19: memref<!tpu.dma_semaphore, #tpu.memory_space<semaphore_mem>>) attributes {dimension_semantics = [#tpu.dimension_semantics<core_parallel>, #tpu.dimension_semantics<subcore_parallel>], iteration_bounds = array<i64: 2, 16>, scalar_prefetch = 0 : i64, scratch_operands = 13 : i64, tpu.core_type = #tpu.core_type<sc_vector_subcore>, window_params = [{transform_indices = #map}, {transform_indices = #map}, {transform_indices = #map1}, {transform_indices = #map}, {transform_indices = #map2}]} {
    %mul3A = arith.constant 2 : i32
    %mul3A_0 = arith.muli %arg1, %mul3A : i32
    %add3A = arith.addi %mul3A_0, %arg0 : i32
    %mul3A_1 = arith.constant 10000 : i32
    %mul3A_2 = arith.muli %add3A, %mul3A_1 : i32
    %mul3A_3 = arith.constant 640 : i32
    %mul3A_4 = arith.muli %arg1, %mul3A_3 : i32
    "tpu.region"() ({
      %run_scoped3A_47 = tpu.sem_alloc : memref<!tpu.dma_semaphore, #tpu.memory_space<semaphore_mem>>
      %dma_start3A_48 = arith.constant 0 : i32
      %dma_start3A_49 = tpu.memref_slice %arg13[%mul3A_4, %dma_start3A_48] : memref<10240x128xf32, #tpu.memory_space<vmem_shared>> -> memref<640x128xf32, #tpu.memory_space<vmem_shared>>
      tpu.enqueue_dma source(%arg5 : memref<640x128xf32, #tpu.memory_space<hbm>>) target(%dma_start3A_49 : memref<640x128xf32, #tpu.memory_space<vmem_shared>>) target_semaphore(%run_scoped3A_47 : memref<!tpu.dma_semaphore, #tpu.memory_space<semaphore_mem>>)
      %dma_wait3A_50 = arith.constant 0 : i32
      %dma_wait3A_51 = tpu.memref_slice %arg13[%mul3A_4, %dma_wait3A_50] : memref<10240x128xf32, #tpu.memory_space<vmem_shared>> -> memref<640x128xf32, #tpu.memory_space<vmem_shared>>
      tpu.wait_dma2 semaphore(%run_scoped3A_47 : memref<!tpu.dma_semaphore, #tpu.memory_space<semaphore_mem>>) src(%arg5 : memref<640x128xf32, #tpu.memory_space<hbm>>) dst(%dma_wait3A_51 : memref<640x128xf32, #tpu.memory_space<vmem_shared>>)
      tpu.yield
    }) : () -> ()
    %barrier3A = arith.constant 0 : index
    tpu.barrier barrier_id(%barrier3A)
    %run_scoped3A = arith.constant 0 : i32
    "tpu.region"() ({
      %run_scoped3A_47 = tpu.sem_alloc : memref<!tpu.dma_semaphore, #tpu.memory_space<semaphore_mem>>
      %dma_start3A_48 = arith.constant 0 : i32
      %dma_start3A_49 = arith.constant 0 : i32
      %dma_start3A_50 = tpu.memref_slice %arg4[%add3A, %run_scoped3A, %dma_start3A_48, %dma_start3A_49] : memref<32x125x2x80xi32, #tpu.memory_space<hbm>> -> memref<1x1x2x80xi32, #tpu.memory_space<hbm>>
      %dma_start3A_51 = tpu.memref_squeeze %dma_start3A_50 : memref<1x1x2x80xi32, #tpu.memory_space<hbm>> -> memref<2x80xi32, #tpu.memory_space<hbm>>
      %dma_start3A_52 = arith.constant 0 : i32
      %dma_start3A_53 = arith.constant 0 : i32
      %dma_start3A_54 = tpu.memref_slice %arg4[%add3A, %run_scoped3A, %dma_start3A_52, %dma_start3A_53] : memref<32x125x2x80xi32, #tpu.memory_space<hbm>> -> memref<1x1x2x80xi32, #tpu.memory_space<hbm>>
      %dma_start3A_55 = tpu.memref_squeeze %dma_start3A_54 : memref<1x1x2x80xi32, #tpu.memory_space<hbm>> -> memref<2x80xi32, #tpu.memory_space<hbm>>
      tpu.enqueue_dma source(%dma_start3A_55 : memref<2x80xi32, #tpu.memory_space<hbm>>) target(%arg7 : memref<2x80xi32, #tpu.memory_space<vmem>>) target_semaphore(%run_scoped3A_47 : memref<!tpu.dma_semaphore, #tpu.memory_space<semaphore_mem>>)
      %dma_wait3A_56 = arith.constant 0 : i32
      %dma_wait3A_57 = arith.constant 0 : i32
      %dma_wait3A_58 = tpu.memref_slice %arg4[%add3A, %run_scoped3A, %dma_wait3A_56, %dma_wait3A_57] : memref<32x125x2x80xi32, #tpu.memory_space<hbm>> -> memref<1x1x2x80xi32, #tpu.memory_space<hbm>>
      %dma_wait3A_59 = tpu.memref_squeeze %dma_wait3A_58 : memref<1x1x2x80xi32, #tpu.memory_space<hbm>> -> memref<2x80xi32, #tpu.memory_space<hbm>>
      %dma_wait3A_60 = arith.constant 0 : i32
      %dma_wait3A_61 = arith.constant 0 : i32
      %dma_wait3A_62 = tpu.memref_slice %arg4[%add3A, %run_scoped3A, %dma_wait3A_60, %dma_wait3A_61] : memref<32x125x2x80xi32, #tpu.memory_space<hbm>> -> memref<1x1x2x80xi32, #tpu.memory_space<hbm>>
      %dma_wait3A_63 = tpu.memref_squeeze %dma_wait3A_62 : memref<1x1x2x80xi32, #tpu.memory_space<hbm>> -> memref<2x80xi32, #tpu.memory_space<hbm>>
      tpu.wait_dma2 semaphore(%run_scoped3A_47 : memref<!tpu.dma_semaphore, #tpu.memory_space<semaphore_mem>>) src(%dma_wait3A_63 : memref<2x80xi32, #tpu.memory_space<hbm>>) dst(%arg7 : memref<2x80xi32, #tpu.memory_space<vmem>>)
      tpu.yield
    }) : () -> ()
    %dma_start3A = arith.constant 1 : i32
    %dma_start3A_5 = arith.constant 0 : i32
    %dma_start3A_6 = arith.constant 0 : i32
    %dma_start3A_7 = tpu.memref_slice %arg4[%add3A, %dma_start3A, %dma_start3A_5, %dma_start3A_6] : memref<32x125x2x80xi32, #tpu.memory_space<hbm>> -> memref<1x1x2x80xi32, #tpu.memory_space<hbm>>
    %dma_start3A_8 = tpu.memref_squeeze %dma_start3A_7 : memref<1x1x2x80xi32, #tpu.memory_space<hbm>> -> memref<2x80xi32, #tpu.memory_space<hbm>>
    %dma_start3A_9 = arith.constant 0 : i32
    %dma_start3A_10 = arith.constant 0 : i32
    %dma_start3A_11 = tpu.memref_slice %arg4[%add3A, %dma_start3A, %dma_start3A_9, %dma_start3A_10] : memref<32x125x2x80xi32, #tpu.memory_space<hbm>> -> memref<1x1x2x80xi32, #tpu.memory_space<hbm>>
    %dma_start3A_12 = tpu.memref_squeeze %dma_start3A_11 : memref<1x1x2x80xi32, #tpu.memory_space<hbm>> -> memref<2x80xi32, #tpu.memory_space<hbm>>
    tpu.enqueue_dma source(%dma_start3A_12 : memref<2x80xi32, #tpu.memory_space<hbm>>) target(%arg8 : memref<2x80xi32, #tpu.memory_space<vmem>>) target_semaphore(%arg15 : memref<!tpu.dma_semaphore, #tpu.memory_space<semaphore_mem>>)
    %dma_start3A_13 = arith.constant 0 : i32
    %dma_start3A_14 = arith.constant 0 : i32
    %dma_start3A_15 = tpu.memref_slice %arg7[%dma_start3A_13, %dma_start3A_14] : memref<2x80xi32, #tpu.memory_space<vmem>> -> memref<1x80xi32, #tpu.memory_space<vmem>>
    %dma_start3A_16 = tpu.memref_squeeze %dma_start3A_15 : memref<1x80xi32, #tpu.memory_space<vmem>> -> memref<80xi32, #tpu.memory_space<vmem>>
    %dma_start3A_17 = arith.constant 0 : i32
    %dma_start3A_18 = arith.constant 0 : i32
    %dma_start3A_19 = tpu.memref_slice %arg2[%dma_start3A_17, %dma_start3A_18] : memref<10000x128xf32, #tpu.memory_space<hbm>> -> memref<10000x128xf32, #tpu.memory_space<hbm>>
    tpu.enqueue_indirect_dma source(%dma_start3A_19 : memref<10000x128xf32, #tpu.memory_space<hbm>>) target(%arg9 : memref<80x128xf32, #tpu.memory_space<vmem>>) offsets(%dma_start3A_16 : memref<80xi32, #tpu.memory_space<vmem>>) semaphore(%arg16 : memref<!tpu.dma_semaphore, #tpu.memory_space<semaphore_mem>>)
    %add3A_20 = arith.constant 0 : i32
    %add3A_21 = arith.addi %mul3A_2, %add3A_20 : i32
    %dma_start3A_22 = arith.constant 0 : i32
    %dma_start3A_23 = tpu.memref_slice %arg3[%add3A_21, %dma_start3A_22] : memref<320000x128xf32, #tpu.memory_space<hbm>> -> memref<80x128xf32, #tpu.memory_space<hbm>>
    %dma_start3A_24 = arith.constant 0 : i32
    %dma_start3A_25 = tpu.memref_slice %arg3[%add3A_21, %dma_start3A_24] : memref<320000x128xf32, #tpu.memory_space<hbm>> -> memref<80x128xf32, #tpu.memory_space<hbm>>
    tpu.enqueue_dma source(%dma_start3A_25 : memref<80x128xf32, #tpu.memory_space<hbm>>) target(%arg11 : memref<80x128xf32, #tpu.memory_space<vmem>>) target_semaphore(%arg18 : memref<!tpu.dma_semaphore, #tpu.memory_space<semaphore_mem>>)
    %scan3A = arith.constant 0 : i32
    %scan3A_26 = arith.constant 0 : i32
    %scan3A_27 = arith.constant 62 : i32
    %scan3A_28 = arith.addi %scan3A_26, %scan3A_27 : i32
    %scan3A_29 = arith.constant 1 : i32
    scf.for %scan3A_47 = %scan3A_26 to %scan3A_28 step %scan3A_29  : i32 {
      %mul3A_48 = arith.constant 2 : i32
      %mul3A_49 = arith.muli %mul3A_48, %scan3A_47 : i32
      %dma_wait3A_50 = arith.constant 0 : i32
      %dma_wait3A_51 = arith.constant 0 : i32
      %dma_wait3A_52 = arith.constant 0 : i32
      %dma_wait3A_53 = tpu.memref_slice %arg4[%add3A, %dma_wait3A_50, %dma_wait3A_51, %dma_wait3A_52] : memref<32x125x2x80xi32, #tpu.memory_space<hbm>> -> memref<1x1x2x80xi32, #tpu.memory_space<hbm>>
      %dma_wait3A_54 = tpu.memref_squeeze %dma_wait3A_53 : memref<1x1x2x80xi32, #tpu.memory_space<hbm>> -> memref<2x80xi32, #tpu.memory_space<hbm>>
      %dma_wait3A_55 = arith.constant 0 : i32
      %dma_wait3A_56 = arith.constant 0 : i32
      %dma_wait3A_57 = tpu.memref_slice %arg4[%add3A, %dma_wait3A_50, %dma_wait3A_55, %dma_wait3A_56] : memref<32x125x2x80xi32, #tpu.memory_space<hbm>> -> memref<1x1x2x80xi32, #tpu.memory_space<hbm>>
      %dma_wait3A_58 = tpu.memref_squeeze %dma_wait3A_57 : memref<1x1x2x80xi32, #tpu.memory_space<hbm>> -> memref<2x80xi32, #tpu.memory_space<hbm>>
      tpu.wait_dma2 semaphore(%arg15 : memref<!tpu.dma_semaphore, #tpu.memory_space<semaphore_mem>>) src(%dma_wait3A_58 : memref<2x80xi32, #tpu.memory_space<hbm>>) dst(%arg8 : memref<2x80xi32, #tpu.memory_space<vmem>>)
      %add3A_59 = arith.constant 1 : i32
      %add3A_60 = arith.addi %mul3A_49, %add3A_59 : i32
      %dma_start3A_61 = arith.constant 0 : i32
      %dma_start3A_62 = arith.constant 0 : i32
      %dma_start3A_63 = tpu.memref_slice %arg8[%dma_start3A_61, %dma_start3A_62] : memref<2x80xi32, #tpu.memory_space<vmem>> -> memref<1x80xi32, #tpu.memory_space<vmem>>
      %dma_start3A_64 = tpu.memref_squeeze %dma_start3A_63 : memref<1x80xi32, #tpu.memory_space<vmem>> -> memref<80xi32, #tpu.memory_space<vmem>>
      %dma_start3A_65 = arith.constant 0 : i32
      %dma_start3A_66 = arith.constant 0 : i32
      %dma_start3A_67 = tpu.memref_slice %arg2[%dma_start3A_65, %dma_start3A_66] : memref<10000x128xf32, #tpu.memory_space<hbm>> -> memref<10000x128xf32, #tpu.memory_space<hbm>>
      tpu.enqueue_indirect_dma source(%dma_start3A_67 : memref<10000x128xf32, #tpu.memory_space<hbm>>) target(%arg10 : memref<80x128xf32, #tpu.memory_space<vmem>>) offsets(%dma_start3A_64 : memref<80xi32, #tpu.memory_space<vmem>>) semaphore(%arg17 : memref<!tpu.dma_semaphore, #tpu.memory_space<semaphore_mem>>)
      %mul3A_68 = arith.constant 80 : i32
      %mul3A_69 = arith.muli %add3A_60, %mul3A_68 : i32
      %add3A_70 = arith.addi %mul3A_2, %mul3A_69 : i32
      %dma_start3A_71 = arith.constant 0 : i32
      %dma_start3A_72 = tpu.memref_slice %arg3[%add3A_70, %dma_start3A_71] : memref<320000x128xf32, #tpu.memory_space<hbm>> -> memref<80x128xf32, #tpu.memory_space<hbm>>
      %dma_start3A_73 = arith.constant 0 : i32
      %dma_start3A_74 = tpu.memref_slice %arg3[%add3A_70, %dma_start3A_73] : memref<320000x128xf32, #tpu.memory_space<hbm>> -> memref<80x128xf32, #tpu.memory_space<hbm>>
      tpu.enqueue_dma source(%dma_start3A_74 : memref<80x128xf32, #tpu.memory_space<hbm>>) target(%arg12 : memref<80x128xf32, #tpu.memory_space<vmem>>) target_semaphore(%arg19 : memref<!tpu.dma_semaphore, #tpu.memory_space<semaphore_mem>>)
      %dma_wait3A_75 = arith.constant 0 : i32
      %dma_wait3A_76 = arith.constant 0 : i32
      %dma_wait3A_77 = tpu.memref_slice %arg7[%dma_wait3A_75, %dma_wait3A_76] : memref<2x80xi32, #tpu.memory_space<vmem>> -> memref<1x80xi32, #tpu.memory_space<vmem>>
      %dma_wait3A_78 = tpu.memref_squeeze %dma_wait3A_77 : memref<1x80xi32, #tpu.memory_space<vmem>> -> memref<80xi32, #tpu.memory_space<vmem>>
      %dma_wait3A_79 = arith.constant 0 : i32
      %dma_wait3A_80 = arith.constant 0 : i32
      %dma_wait3A_81 = tpu.memref_slice %arg2[%dma_wait3A_79, %dma_wait3A_80] : memref<10000x128xf32, #tpu.memory_space<hbm>> -> memref<10000x128xf32, #tpu.memory_space<hbm>>
      tpu.wait_indirect_dma semaphore(%arg16 : memref<!tpu.dma_semaphore, #tpu.memory_space<semaphore_mem>>) src(%dma_wait3A_81 : memref<10000x128xf32, #tpu.memory_space<hbm>>) dst(%arg9 : memref<80x128xf32, #tpu.memory_space<vmem>>)
      %dma_wait3A_82 = arith.constant 0 : i32
      %dma_wait3A_83 = tpu.memref_slice %arg3[%mul3A_2, %dma_wait3A_82] : memref<320000x128xf32, #tpu.memory_space<hbm>> -> memref<80x128xf32, #tpu.memory_space<hbm>>
      %dma_wait3A_84 = arith.constant 0 : i32
      %dma_wait3A_85 = tpu.memref_slice %arg3[%mul3A_2, %dma_wait3A_84] : memref<320000x128xf32, #tpu.memory_space<hbm>> -> memref<80x128xf32, #tpu.memory_space<hbm>>
      tpu.wait_dma2 semaphore(%arg18 : memref<!tpu.dma_semaphore, #tpu.memory_space<semaphore_mem>>) src(%dma_wait3A_85 : memref<80x128xf32, #tpu.memory_space<hbm>>) dst(%arg11 : memref<80x128xf32, #tpu.memory_space<vmem>>)
      %parallel_loop3A_86 = arith.constant 0 : i32
      %parallel_loop3A_87 = arith.constant 80 : i32
      %parallel_loop3A_88 = arith.constant 1 : i32
      scf.for %parallel_loop3A_144 = %parallel_loop3A_86 to %parallel_loop3A_87 step %parallel_loop3A_88  : i32 {
        %parallel_loop3A_145 = arith.index_cast %parallel_loop3A_144 : i32 to index
        %parallel_loop3A_146 = arith.constant 0 : index
        %parallel_loop3A_147 = tpu.vector_load %arg9[%parallel_loop3A_145, %parallel_loop3A_146] {strides = array<i32>} : memref<80x128xf32, #tpu.memory_space<vmem>>, vector<16xf32>,
        %parallel_loop3A_148 = arith.index_cast %parallel_loop3A_144 : i32 to index
        %parallel_loop3A_149 = arith.constant 0 : index
        %parallel_loop3A_150 = tpu.vector_load %arg11[%parallel_loop3A_148, %parallel_loop3A_149] {strides = array<i32>} : memref<80x128xf32, #tpu.memory_space<vmem>>, vector<16xf32>,
        %parallel_loop3A_151 = arith.mulf %parallel_loop3A_147, %parallel_loop3A_150 : vector<16xf32>
        %parallel_loop3A_152 = arith.index_cast %parallel_loop3A_144 : i32 to index
        %parallel_loop3A_153 = arith.constant 0 : index
        %parallel_loop3A_154 = tpu.vector_load %arg9[%parallel_loop3A_152, %parallel_loop3A_153] {strides = array<i32>} : memref<80x128xf32, #tpu.memory_space<vmem>>, vector<16xf32>,
        tpu.vector_store %arg9[%parallel_loop3A_152, %parallel_loop3A_153], %parallel_loop3A_151 {strides = array<i32>} : memref<80x128xf32, #tpu.memory_space<vmem>>, vector<16xf32>,
        %parallel_loop3A_155 = arith.index_cast %parallel_loop3A_144 : i32 to index
        %parallel_loop3A_156 = arith.constant 16 : index
        %parallel_loop3A_157 = tpu.vector_load %arg9[%parallel_loop3A_155, %parallel_loop3A_156] {strides = array<i32>} : memref<80x128xf32, #tpu.memory_space<vmem>>, vector<16xf32>,
        %parallel_loop3A_158 = arith.index_cast %parallel_loop3A_144 : i32 to index
        %parallel_loop3A_159 = arith.constant 16 : index
        %parallel_loop3A_160 = tpu.vector_load %arg11[%parallel_loop3A_158, %parallel_loop3A_159] {strides = array<i32>} : memref<80x128xf32, #tpu.memory_space<vmem>>, vector<16xf32>,
        %parallel_loop3A_161 = arith.mulf %parallel_loop3A_157, %parallel_loop3A_160 : vector<16xf32>
        %parallel_loop3A_162 = arith.index_cast %parallel_loop3A_144 : i32 to index
        %parallel_loop3A_163 = arith.constant 16 : index
        %parallel_loop3A_164 = tpu.vector_load %arg9[%parallel_loop3A_162, %parallel_loop3A_163] {strides = array<i32>} : memref<80x128xf32, #tpu.memory_space<vmem>>, vector<16xf32>,
        tpu.vector_store %arg9[%parallel_loop3A_162, %parallel_loop3A_163], %parallel_loop3A_161 {strides = array<i32>} : memref<80x128xf32, #tpu.memory_space<vmem>>, vector<16xf32>,
        %parallel_loop3A_165 = arith.index_cast %parallel_loop3A_144 : i32 to index
        %parallel_loop3A_166 = arith.constant 32 : index
        %parallel_loop3A_167 = tpu.vector_load %arg9[%parallel_loop3A_165, %parallel_loop3A_166] {strides = array<i32>} : memref<80x128xf32, #tpu.memory_space<vmem>>, vector<16xf32>,
        %parallel_loop3A_168 = arith.index_cast %parallel_loop3A_144 : i32 to index
        %parallel_loop3A_169 = arith.constant 32 : index
        %parallel_loop3A_170 = tpu.vector_load %arg11[%parallel_loop3A_168, %parallel_loop3A_169] {strides = array<i32>} : memref<80x128xf32, #tpu.memory_space<vmem>>, vector<16xf32>,
        %parallel_loop3A_171 = arith.mulf %parallel_loop3A_167, %parallel_loop3A_170 : vector<16xf32>
        %parallel_loop3A_172 = arith.index_cast %parallel_loop3A_144 : i32 to index
        %parallel_loop3A_173 = arith.constant 32 : index
        %parallel_loop3A_174 = tpu.vector_load %arg9[%parallel_loop3A_172, %parallel_loop3A_173] {strides = array<i32>} : memref<80x128xf32, #tpu.memory_space<vmem>>, vector<16xf32>,
        tpu.vector_store %arg9[%parallel_loop3A_172, %parallel_loop3A_173], %parallel_loop3A_171 {strides = array<i32>} : memref<80x128xf32, #tpu.memory_space<vmem>>, vector<16xf32>,
        %parallel_loop3A_175 = arith.index_cast %parallel_loop3A_144 : i32 to index
        %parallel_loop3A_176 = arith.constant 48 : index
        %parallel_loop3A_177 = tpu.vector_load %arg9[%parallel_loop3A_175, %parallel_loop3A_176] {strides = array<i32>} : memref<80x128xf32, #tpu.memory_space<vmem>>, vector<16xf32>,
        %parallel_loop3A_178 = arith.index_cast %parallel_loop3A_144 : i32 to index
        %parallel_loop3A_179 = arith.constant 48 : index
        %parallel_loop3A_180 = tpu.vector_load %arg11[%parallel_loop3A_178, %parallel_loop3A_179] {strides = array<i32>} : memref<80x128xf32, #tpu.memory_space<vmem>>, vector<16xf32>,
        %parallel_loop3A_181 = arith.mulf %parallel_loop3A_177, %parallel_loop3A_180 : vector<16xf32>
        %parallel_loop3A_182 = arith.index_cast %parallel_loop3A_144 : i32 to index
        %parallel_loop3A_183 = arith.constant 48 : index
        %parallel_loop3A_184 = tpu.vector_load %arg9[%parallel_loop3A_182, %parallel_loop3A_183] {strides = array<i32>} : memref<80x128xf32, #tpu.memory_space<vmem>>, vector<16xf32>,
        tpu.vector_store %arg9[%parallel_loop3A_182, %parallel_loop3A_183], %parallel_loop3A_181 {strides = array<i32>} : memref<80x128xf32, #tpu.memory_space<vmem>>, vector<16xf32>,
        %parallel_loop3A_185 = arith.index_cast %parallel_loop3A_144 : i32 to index
        %parallel_loop3A_186 = arith.constant 64 : index
        %parallel_loop3A_187 = tpu.vector_load %arg9[%parallel_loop3A_185, %parallel_loop3A_186] {strides = array<i32>} : memref<80x128xf32, #tpu.memory_space<vmem>>, vector<16xf32>,
        %parallel_loop3A_188 = arith.index_cast %parallel_loop3A_144 : i32 to index
        %parallel_loop3A_189 = arith.constant 64 : index
        %parallel_loop3A_190 = tpu.vector_load %arg11[%parallel_loop3A_188, %parallel_loop3A_189] {strides = array<i32>} : memref<80x128xf32, #tpu.memory_space<vmem>>, vector<16xf32>,
        %parallel_loop3A_191 = arith.mulf %parallel_loop3A_187, %parallel_loop3A_190 : vector<16xf32>
        %parallel_loop3A_192 = arith.index_cast %parallel_loop3A_144 : i32 to index
        %parallel_loop3A_193 = arith.constant 64 : index
        %parallel_loop3A_194 = tpu.vector_load %arg9[%parallel_loop3A_192, %parallel_loop3A_193] {strides = array<i32>} : memref<80x128xf32, #tpu.memory_space<vmem>>, vector<16xf32>,
        tpu.vector_store %arg9[%parallel_loop3A_192, %parallel_loop3A_193], %parallel_loop3A_191 {strides = array<i32>} : memref<80x128xf32, #tpu.memory_space<vmem>>, vector<16xf32>,
        %parallel_loop3A_195 = arith.index_cast %parallel_loop3A_144 : i32 to index
        %parallel_loop3A_196 = arith.constant 80 : index
        %parallel_loop3A_197 = tpu.vector_load %arg9[%parallel_loop3A_195, %parallel_loop3A_196] {strides = array<i32>} : memref<80x128xf32, #tpu.memory_space<vmem>>, vector<16xf32>,
        %parallel_loop3A_198 = arith.index_cast %parallel_loop3A_144 : i32 to index
        %parallel_loop3A_199 = arith.constant 80 : index
        %parallel_loop3A_200 = tpu.vector_load %arg11[%parallel_loop3A_198, %parallel_loop3A_199] {strides = array<i32>} : memref<80x128xf32, #tpu.memory_space<vmem>>, vector<16xf32>,
        %parallel_loop3A_201 = arith.mulf %parallel_loop3A_197, %parallel_loop3A_200 : vector<16xf32>
        %parallel_loop3A_202 = arith.index_cast %parallel_loop3A_144 : i32 to index
        %parallel_loop3A_203 = arith.constant 80 : index
        %parallel_loop3A_204 = tpu.vector_load %arg9[%parallel_loop3A_202, %parallel_loop3A_203] {strides = array<i32>} : memref<80x128xf32, #tpu.memory_space<vmem>>, vector<16xf32>,
        tpu.vector_store %arg9[%parallel_loop3A_202, %parallel_loop3A_203], %parallel_loop3A_201 {strides = array<i32>} : memref<80x128xf32, #tpu.memory_space<vmem>>, vector<16xf32>,
        %parallel_loop3A_205 = arith.index_cast %parallel_loop3A_144 : i32 to index
        %parallel_loop3A_206 = arith.constant 96 : index
        %parallel_loop3A_207 = tpu.vector_load %arg9[%parallel_loop3A_205, %parallel_loop3A_206] {strides = array<i32>} : memref<80x128xf32, #tpu.memory_space<vmem>>, vector<16xf32>,
        %parallel_loop3A_208 = arith.index_cast %parallel_loop3A_144 : i32 to index
        %parallel_loop3A_209 = arith.constant 96 : index
        %parallel_loop3A_210 = tpu.vector_load %arg11[%parallel_loop3A_208, %parallel_loop3A_209] {strides = array<i32>} : memref<80x128xf32, #tpu.memory_space<vmem>>, vector<16xf32>,
        %parallel_loop3A_211 = arith.mulf %parallel_loop3A_207, %parallel_loop3A_210 : vector<16xf32>
        %parallel_loop3A_212 = arith.index_cast %parallel_loop3A_144 : i32 to index
        %parallel_loop3A_213 = arith.constant 96 : index
        %parallel_loop3A_214 = tpu.vector_load %arg9[%parallel_loop3A_212, %parallel_loop3A_213] {strides = array<i32>} : memref<80x128xf32, #tpu.memory_space<vmem>>, vector<16xf32>,
        tpu.vector_store %arg9[%parallel_loop3A_212, %parallel_loop3A_213], %parallel_loop3A_211 {strides = array<i32>} : memref<80x128xf32, #tpu.memory_space<vmem>>, vector<16xf32>,
        %parallel_loop3A_215 = arith.index_cast %parallel_loop3A_144 : i32 to index
        %parallel_loop3A_216 = arith.constant 112 : index
        %parallel_loop3A_217 = tpu.vector_load %arg9[%parallel_loop3A_215, %parallel_loop3A_216] {strides = array<i32>} : memref<80x128xf32, #tpu.memory_space<vmem>>, vector<16xf32>,
        %parallel_loop3A_218 = arith.index_cast %parallel_loop3A_144 : i32 to index
        %parallel_loop3A_219 = arith.constant 112 : index
        %parallel_loop3A_220 = tpu.vector_load %arg11[%parallel_loop3A_218, %parallel_loop3A_219] {strides = array<i32>} : memref<80x128xf32, #tpu.memory_space<vmem>>, vector<16xf32>,
        %parallel_loop3A_221 = arith.mulf %parallel_loop3A_217, %parallel_loop3A_220 : vector<16xf32>
        %parallel_loop3A_222 = arith.index_cast %parallel_loop3A_144 : i32 to index
        %parallel_loop3A_223 = arith.constant 112 : index
        %parallel_loop3A_224 = tpu.vector_load %arg9[%parallel_loop3A_222, %parallel_loop3A_223] {strides = array<i32>} : memref<80x128xf32, #tpu.memory_space<vmem>>, vector<16xf32>,
        tpu.vector_store %arg9[%parallel_loop3A_222, %parallel_loop3A_223], %parallel_loop3A_221 {strides = array<i32>} : memref<80x128xf32, #tpu.memory_space<vmem>>, vector<16xf32>,
      } {sc.loop_unroll_factor = 2 : i64, sc.parallel_access}
      %run_scoped3A_89 = arith.constant 1 : i32
      "tpu.region"() ({
        %run_scoped3A_144 = tpu.sem_alloc : memref<!tpu.dma_semaphore, #tpu.memory_space<semaphore_mem>>
        %dma_start3A_145 = arith.constant 0 : i32
        %dma_start3A_146 = tpu.memref_slice %arg7[%run_scoped3A_89, %dma_start3A_145] : memref<2x80xi32, #tpu.memory_space<vmem>> -> memref<1x80xi32, #tpu.memory_space<vmem>>
        %dma_start3A_147 = tpu.memref_squeeze %dma_start3A_146 : memref<1x80xi32, #tpu.memory_space<vmem>> -> memref<80xi32, #tpu.memory_space<vmem>>
        %dma_start3A_148 = arith.constant 0 : i32
        %dma_start3A_149 = arith.constant 0 : i32
        %dma_start3A_150 = tpu.memref_slice %arg13[%dma_start3A_148, %dma_start3A_149] : memref<10240x128xf32, #tpu.memory_space<vmem_shared>> -> memref<10240x128xf32, #tpu.memory_space<vmem_shared>>
        tpu.enqueue_indirect_dma source(%arg9 : memref<80x128xf32, #tpu.memory_space<vmem>>) target(%dma_start3A_150 : memref<10240x128xf32, #tpu.memory_space<vmem_shared>>) offsets(%dma_start3A_147 : memref<80xi32, #tpu.memory_space<vmem>>) semaphore(%run_scoped3A_144 : memref<!tpu.dma_semaphore, #tpu.memory_space<semaphore_mem>>) {add = true}
        %dma_wait3A_151 = arith.constant 0 : i32
        %dma_wait3A_152 = tpu.memref_slice %arg7[%run_scoped3A_89, %dma_wait3A_151] : memref<2x80xi32, #tpu.memory_space<vmem>> -> memref<1x80xi32, #tpu.memory_space<vmem>>
        %dma_wait3A_153 = tpu.memref_squeeze %dma_wait3A_152 : memref<1x80xi32, #tpu.memory_space<vmem>> -> memref<80xi32, #tpu.memory_space<vmem>>
        %dma_wait3A_154 = arith.constant 0 : i32
        %dma_wait3A_155 = arith.constant 0 : i32
        %dma_wait3A_156 = tpu.memref_slice %arg13[%dma_wait3A_154, %dma_wait3A_155] : memref<10240x128xf32, #tpu.memory_space<vmem_shared>> -> memref<10240x128xf32, #tpu.memory_space<vmem_shared>>
        tpu.wait_indirect_dma semaphore(%run_scoped3A_144 : memref<!tpu.dma_semaphore, #tpu.memory_space<semaphore_mem>>) src(%arg9 : memref<80x128xf32, #tpu.memory_space<vmem>>) dst(%dma_wait3A_156 : memref<10240x128xf32, #tpu.memory_space<vmem_shared>>)
        tpu.yield
      }) : () -> ()
      %add3A_90 = arith.constant 2 : i32
      %add3A_91 = arith.addi %mul3A_49, %add3A_90 : i32
      %dma_start3A_92 = arith.constant 0 : i32
      %dma_start3A_93 = arith.constant 0 : i32
      %dma_start3A_94 = tpu.memref_slice %arg4[%add3A, %add3A_91, %dma_start3A_92, %dma_start3A_93] : memref<32x125x2x80xi32, #tpu.memory_space<hbm>> -> memref<1x1x2x80xi32, #tpu.memory_space<hbm>>
      %dma_start3A_95 = tpu.memref_squeeze %dma_start3A_94 : memref<1x1x2x80xi32, #tpu.memory_space<hbm>> -> memref<2x80xi32, #tpu.memory_space<hbm>>
      %dma_start3A_96 = arith.constant 0 : i32
      %dma_start3A_97 = arith.constant 0 : i32
      %dma_start3A_98 = tpu.memref_slice %arg4[%add3A, %add3A_91, %dma_start3A_96, %dma_start3A_97] : memref<32x125x2x80xi32, #tpu.memory_space<hbm>> -> memref<1x1x2x80xi32, #tpu.memory_space<hbm>>
      %dma_start3A_99 = tpu.memref_squeeze %dma_start3A_98 : memref<1x1x2x80xi32, #tpu.memory_space<hbm>> -> memref<2x80xi32, #tpu.memory_space<hbm>>
      tpu.enqueue_dma source(%dma_start3A_99 : memref<2x80xi32, #tpu.memory_space<hbm>>) target(%arg7 : memref<2x80xi32, #tpu.memory_space<vmem>>) target_semaphore(%arg14 : memref<!tpu.dma_semaphore, #tpu.memory_space<semaphore_mem>>)
      %add3A_100 = arith.constant 1 : i32
      %add3A_101 = arith.addi %mul3A_49, %add3A_100 : i32
      %dma_wait3A_102 = arith.constant 0 : i32
      %dma_wait3A_103 = arith.constant 0 : i32
      %dma_wait3A_104 = arith.constant 0 : i32
      %dma_wait3A_105 = tpu.memref_slice %arg4[%add3A, %dma_wait3A_102, %dma_wait3A_103, %dma_wait3A_104] : memref<32x125x2x80xi32, #tpu.memory_space<hbm>> -> memref<1x1x2x80xi32, #tpu.memory_space<hbm>>
      %dma_wait3A_106 = tpu.memref_squeeze %dma_wait3A_105 : memref<1x1x2x80xi32, #tpu.memory_space<hbm>> -> memref<2x80xi32, #tpu.memory_space<hbm>>
      %dma_wait3A_107 = arith.constant 0 : i32
      %dma_wait3A_108 = arith.constant 0 : i32
      %dma_wait3A_109 = tpu.memref_slice %arg4[%add3A, %dma_wait3A_102, %dma_wait3A_107, %dma_wait3A_108] : memref<32x125x2x80xi32, #tpu.memory_space<hbm>> -> memref<1x1x2x80xi32, #tpu.memory_space<hbm>>
      %dma_wait3A_110 = tpu.memref_squeeze %dma_wait3A_109 : memref<1x1x2x80xi32, #tpu.memory_space<hbm>> -> memref<2x80xi32, #tpu.memory_space<hbm>>
      tpu.wait_dma2 semaphore(%arg14 : memref<!tpu.dma_semaphore, #tpu.memory_space<semaphore_mem>>) src(%dma_wait3A_110 : memref<2x80xi32, #tpu.memory_space<hbm>>) dst(%arg7 : memref<2x80xi32, #tpu.memory_space<vmem>>)
      %add3A_111 = arith.constant 1 : i32
      %add3A_112 = arith.addi %add3A_101, %add3A_111 : i32
      %dma_start3A_113 = arith.constant 0 : i32
      %dma_start3A_114 = arith.constant 0 : i32
      %dma_start3A_115 = tpu.memref_slice %arg7[%dma_start3A_113, %dma_start3A_114] : memref<2x80xi32, #tpu.memory_space<vmem>> -> memref<1x80xi32, #tpu.memory_space<vmem>>
      %dma_start3A_116 = tpu.memref_squeeze %dma_start3A_115 : memref<1x80xi32, #tpu.memory_space<vmem>> -> memref<80xi32, #tpu.memory_space<vmem>>
      %dma_start3A_117 = arith.constant 0 : i32
      %dma_start3A_118 = arith.constant 0 : i32
      %dma_start3A_119 = tpu.memref_slice %arg2[%dma_start3A_117, %dma_start3A_118] : memref<10000x128xf32, #tpu.memory_space<hbm>> -> memref<10000x128xf32, #tpu.memory_space<hbm>>
      tpu.enqueue_indirect_dma source(%dma_start3A_119 : memref<10000x128xf32, #tpu.memory_space<hbm>>) target(%arg9 : memref<80x128xf32, #tpu.memory_space<vmem>>) offsets(%dma_start3A_116 : memref<80xi32, #tpu.memory_space<vmem>>) semaphore(%arg16 : memref<!tpu.dma_semaphore, #tpu.memory_space<semaphore_mem>>)
      %mul3A_120 = arith.constant 80 : i32
      %mul3A_121 = arith.muli %add3A_112, %mul3A_120 : i32
      %add3A_122 = arith.addi %mul3A_2, %mul3A_121 : i32
      %dma_start3A_123 = arith.constant 0 : i32
      %dma_start3A_124 = tpu.memref_slice %arg3[%add3A_122, %dma_start3A_123] : memref<320000x128xf32, #tpu.memory_space<hbm>> -> memref<80x128xf32, #tpu.memory_space<hbm>>
      %dma_start3A_125 = arith.constant 0 : i32
      %dma_start3A_126 = tpu.memref_slice %arg3[%add3A_122, %dma_start3A_125] : memref<320000x128xf32, #tpu.memory_space<hbm>> -> memref<80x128xf32, #tpu.memory_space<hbm>>
      tpu.enqueue_dma source(%dma_start3A_126 : memref<80x128xf32, #tpu.memory_space<hbm>>) target(%arg11 : memref<80x128xf32, #tpu.memory_space<vmem>>) target_semaphore(%arg18 : memref<!tpu.dma_semaphore, #tpu.memory_space<semaphore_mem>>)
      %dma_wait3A_127 = arith.constant 0 : i32
      %dma_wait3A_128 = arith.constant 0 : i32
      %dma_wait3A_129 = tpu.memref_slice %arg8[%dma_wait3A_127, %dma_wait3A_128] : memref<2x80xi32, #tpu.memory_space<vmem>> -> memref<1x80xi32, #tpu.memory_space<vmem>>
      %dma_wait3A_130 = tpu.memref_squeeze %dma_wait3A_129 : memref<1x80xi32, #tpu.memory_space<vmem>> -> memref<80xi32, #tpu.memory_space<vmem>>
      %dma_wait3A_131 = arith.constant 0 : i32
      %dma_wait3A_132 = arith.constant 0 : i32
      %dma_wait3A_133 = tpu.memref_slice %arg2[%dma_wait3A_131, %dma_wait3A_132] : memref<10000x128xf32, #tpu.memory_space<hbm>> -> memref<10000x128xf32, #tpu.memory_space<hbm>>
      tpu.wait_indirect_dma semaphore(%arg17 : memref<!tpu.dma_semaphore, #tpu.memory_space<semaphore_mem>>) src(%dma_wait3A_133 : memref<10000x128xf32, #tpu.memory_space<hbm>>) dst(%arg10 : memref<80x128xf32, #tpu.memory_space<vmem>>)
      %dma_wait3A_134 = arith.constant 0 : i32
      %dma_wait3A_135 = tpu.memref_slice %arg3[%mul3A_2, %dma_wait3A_134] : memref<320000x128xf32, #tpu.memory_space<hbm>> -> memref<80x128xf32, #tpu.memory_space<hbm>>
      %dma_wait3A_136 = arith.constant 0 : i32
      %dma_wait3A_137 = tpu.memref_slice %arg3[%mul3A_2, %dma_wait3A_136] : memref<320000x128xf32, #tpu.memory_space<hbm>> -> memref<80x128xf32, #tpu.memory_space<hbm>>
      tpu.wait_dma2 semaphore(%arg19 : memref<!tpu.dma_semaphore, #tpu.memory_space<semaphore_mem>>) src(%dma_wait3A_137 : memref<80x128xf32, #tpu.memory_space<hbm>>) dst(%arg12 : memref<80x128xf32, #tpu.memory_space<vmem>>)
      %parallel_loop3A_138 = arith.constant 0 : i32
      %parallel_loop3A_139 = arith.constant 80 : i32
      %parallel_loop3A_140 = arith.constant 1 : i32
      scf.for %parallel_loop3A_144 = %parallel_loop3A_138 to %parallel_loop3A_139 step %parallel_loop3A_140  : i32 {
        %parallel_loop3A_145 = arith.index_cast %parallel_loop3A_144 : i32 to index
        %parallel_loop3A_146 = arith.constant 0 : index
        %parallel_loop3A_147 = tpu.vector_load %arg10[%parallel_loop3A_145, %parallel_loop3A_146] {strides = array<i32>} : memref<80x128xf32, #tpu.memory_space<vmem>>, vector<16xf32>,
        %parallel_loop3A_148 = arith.index_cast %parallel_loop3A_144 : i32 to index
        %parallel_loop3A_149 = arith.constant 0 : index
        %parallel_loop3A_150 = tpu.vector_load %arg12[%parallel_loop3A_148, %parallel_loop3A_149] {strides = array<i32>} : memref<80x128xf32, #tpu.memory_space<vmem>>, vector<16xf32>,
        %parallel_loop3A_151 = arith.mulf %parallel_loop3A_147, %parallel_loop3A_150 : vector<16xf32>
        %parallel_loop3A_152 = arith.index_cast %parallel_loop3A_144 : i32 to index
        %parallel_loop3A_153 = arith.constant 0 : index
        %parallel_loop3A_154 = tpu.vector_load %arg10[%parallel_loop3A_152, %parallel_loop3A_153] {strides = array<i32>} : memref<80x128xf32, #tpu.memory_space<vmem>>, vector<16xf32>,
        tpu.vector_store %arg10[%parallel_loop3A_152, %parallel_loop3A_153], %parallel_loop3A_151 {strides = array<i32>} : memref<80x128xf32, #tpu.memory_space<vmem>>, vector<16xf32>,
        %parallel_loop3A_155 = arith.index_cast %parallel_loop3A_144 : i32 to index
        %parallel_loop3A_156 = arith.constant 16 : index
        %parallel_loop3A_157 = tpu.vector_load %arg10[%parallel_loop3A_155, %parallel_loop3A_156] {strides = array<i32>} : memref<80x128xf32, #tpu.memory_space<vmem>>, vector<16xf32>,
        %parallel_loop3A_158 = arith.index_cast %parallel_loop3A_144 : i32 to index
        %parallel_loop3A_159 = arith.constant 16 : index
        %parallel_loop3A_160 = tpu.vector_load %arg12[%parallel_loop3A_158, %parallel_loop3A_159] {strides = array<i32>} : memref<80x128xf32, #tpu.memory_space<vmem>>, vector<16xf32>,
        %parallel_loop3A_161 = arith.mulf %parallel_loop3A_157, %parallel_loop3A_160 : vector<16xf32>
        %parallel_loop3A_162 = arith.index_cast %parallel_loop3A_144 : i32 to index
        %parallel_loop3A_163 = arith.constant 16 : index
        %parallel_loop3A_164 = tpu.vector_load %arg10[%parallel_loop3A_162, %parallel_loop3A_163] {strides = array<i32>} : memref<80x128xf32, #tpu.memory_space<vmem>>, vector<16xf32>,
        tpu.vector_store %arg10[%parallel_loop3A_162, %parallel_loop3A_163], %parallel_loop3A_161 {strides = array<i32>} : memref<80x128xf32, #tpu.memory_space<vmem>>, vector<16xf32>,
        %parallel_loop3A_165 = arith.index_cast %parallel_loop3A_144 : i32 to index
        %parallel_loop3A_166 = arith.constant 32 : index
        %parallel_loop3A_167 = tpu.vector_load %arg10[%parallel_loop3A_165, %parallel_loop3A_166] {strides = array<i32>} : memref<80x128xf32, #tpu.memory_space<vmem>>, vector<16xf32>,
        %parallel_loop3A_168 = arith.index_cast %parallel_loop3A_144 : i32 to index
        %parallel_loop3A_169 = arith.constant 32 : index
        %parallel_loop3A_170 = tpu.vector_load %arg12[%parallel_loop3A_168, %parallel_loop3A_169] {strides = array<i32>} : memref<80x128xf32, #tpu.memory_space<vmem>>, vector<16xf32>,
        %parallel_loop3A_171 = arith.mulf %parallel_loop3A_167, %parallel_loop3A_170 : vector<16xf32>
        %parallel_loop3A_172 = arith.index_cast %parallel_loop3A_144 : i32 to index
        %parallel_loop3A_173 = arith.constant 32 : index
        %parallel_loop3A_174 = tpu.vector_load %arg10[%parallel_loop3A_172, %parallel_loop3A_173] {strides = array<i32>} : memref<80x128xf32, #tpu.memory_space<vmem>>, vector<16xf32>,
        tpu.vector_store %arg10[%parallel_loop3A_172, %parallel_loop3A_173], %parallel_loop3A_171 {strides = array<i32>} : memref<80x128xf32, #tpu.memory_space<vmem>>, vector<16xf32>,
        %parallel_loop3A_175 = arith.index_cast %parallel_loop3A_144 : i32 to index
        %parallel_loop3A_176 = arith.constant 48 : index
        %parallel_loop3A_177 = tpu.vector_load %arg10[%parallel_loop3A_175, %parallel_loop3A_176] {strides = array<i32>} : memref<80x128xf32, #tpu.memory_space<vmem>>, vector<16xf32>,
        %parallel_loop3A_178 = arith.index_cast %parallel_loop3A_144 : i32 to index
        %parallel_loop3A_179 = arith.constant 48 : index
        %parallel_loop3A_180 = tpu.vector_load %arg12[%parallel_loop3A_178, %parallel_loop3A_179] {strides = array<i32>} : memref<80x128xf32, #tpu.memory_space<vmem>>, vector<16xf32>,
        %parallel_loop3A_181 = arith.mulf %parallel_loop3A_177, %parallel_loop3A_180 : vector<16xf32>
        %parallel_loop3A_182 = arith.index_cast %parallel_loop3A_144 : i32 to index
        %parallel_loop3A_183 = arith.constant 48 : index
        %parallel_loop3A_184 = tpu.vector_load %arg10[%parallel_loop3A_182, %parallel_loop3A_183] {strides = array<i32>} : memref<80x128xf32, #tpu.memory_space<vmem>>, vector<16xf32>,
        tpu.vector_store %arg10[%parallel_loop3A_182, %parallel_loop3A_183], %parallel_loop3A_181 {strides = array<i32>} : memref<80x128xf32, #tpu.memory_space<vmem>>, vector<16xf32>,
        %parallel_loop3A_185 = arith.index_cast %parallel_loop3A_144 : i32 to index
        %parallel_loop3A_186 = arith.constant 64 : index
        %parallel_loop3A_187 = tpu.vector_load %arg10[%parallel_loop3A_185, %parallel_loop3A_186] {strides = array<i32>} : memref<80x128xf32, #tpu.memory_space<vmem>>, vector<16xf32>,
        %parallel_loop3A_188 = arith.index_cast %parallel_loop3A_144 : i32 to index
        %parallel_loop3A_189 = arith.constant 64 : index
        %parallel_loop3A_190 = tpu.vector_load %arg12[%parallel_loop3A_188, %parallel_loop3A_189] {strides = array<i32>} : memref<80x128xf32, #tpu.memory_space<vmem>>, vector<16xf32>,
        %parallel_loop3A_191 = arith.mulf %parallel_loop3A_187, %parallel_loop3A_190 : vector<16xf32>
        %parallel_loop3A_192 = arith.index_cast %parallel_loop3A_144 : i32 to index
        %parallel_loop3A_193 = arith.constant 64 : index
        %parallel_loop3A_194 = tpu.vector_load %arg10[%parallel_loop3A_192, %parallel_loop3A_193] {strides = array<i32>} : memref<80x128xf32, #tpu.memory_space<vmem>>, vector<16xf32>,
        tpu.vector_store %arg10[%parallel_loop3A_192, %parallel_loop3A_193], %parallel_loop3A_191 {strides = array<i32>} : memref<80x128xf32, #tpu.memory_space<vmem>>, vector<16xf32>,
        %parallel_loop3A_195 = arith.index_cast %parallel_loop3A_144 : i32 to index
        %parallel_loop3A_196 = arith.constant 80 : index
        %parallel_loop3A_197 = tpu.vector_load %arg10[%parallel_loop3A_195, %parallel_loop3A_196] {strides = array<i32>} : memref<80x128xf32, #tpu.memory_space<vmem>>, vector<16xf32>,
        %parallel_loop3A_198 = arith.index_cast %parallel_loop3A_144 : i32 to index
        %parallel_loop3A_199 = arith.constant 80 : index
        %parallel_loop3A_200 = tpu.vector_load %arg12[%parallel_loop3A_198, %parallel_loop3A_199] {strides = array<i32>} : memref<80x128xf32, #tpu.memory_space<vmem>>, vector<16xf32>,
        %parallel_loop3A_201 = arith.mulf %parallel_loop3A_197, %parallel_loop3A_200 : vector<16xf32>
        %parallel_loop3A_202 = arith.index_cast %parallel_loop3A_144 : i32 to index
        %parallel_loop3A_203 = arith.constant 80 : index
        %parallel_loop3A_204 = tpu.vector_load %arg10[%parallel_loop3A_202, %parallel_loop3A_203] {strides = array<i32>} : memref<80x128xf32, #tpu.memory_space<vmem>>, vector<16xf32>,
        tpu.vector_store %arg10[%parallel_loop3A_202, %parallel_loop3A_203], %parallel_loop3A_201 {strides = array<i32>} : memref<80x128xf32, #tpu.memory_space<vmem>>, vector<16xf32>,
        %parallel_loop3A_205 = arith.index_cast %parallel_loop3A_144 : i32 to index
        %parallel_loop3A_206 = arith.constant 96 : index
        %parallel_loop3A_207 = tpu.vector_load %arg10[%parallel_loop3A_205, %parallel_loop3A_206] {strides = array<i32>} : memref<80x128xf32, #tpu.memory_space<vmem>>, vector<16xf32>,
        %parallel_loop3A_208 = arith.index_cast %parallel_loop3A_144 : i32 to index
        %parallel_loop3A_209 = arith.constant 96 : index
        %parallel_loop3A_210 = tpu.vector_load %arg12[%parallel_loop3A_208, %parallel_loop3A_209] {strides = array<i32>} : memref<80x128xf32, #tpu.memory_space<vmem>>, vector<16xf32>,
        %parallel_loop3A_211 = arith.mulf %parallel_loop3A_207, %parallel_loop3A_210 : vector<16xf32>
        %parallel_loop3A_212 = arith.index_cast %parallel_loop3A_144 : i32 to index
        %parallel_loop3A_213 = arith.constant 96 : index
        %parallel_loop3A_214 = tpu.vector_load %arg10[%parallel_loop3A_212, %parallel_loop3A_213] {strides = array<i32>} : memref<80x128xf32, #tpu.memory_space<vmem>>, vector<16xf32>,
        tpu.vector_store %arg10[%parallel_loop3A_212, %parallel_loop3A_213], %parallel_loop3A_211 {strides = array<i32>} : memref<80x128xf32, #tpu.memory_space<vmem>>, vector<16xf32>,
        %parallel_loop3A_215 = arith.index_cast %parallel_loop3A_144 : i32 to index
        %parallel_loop3A_216 = arith.constant 112 : index
        %parallel_loop3A_217 = tpu.vector_load %arg10[%parallel_loop3A_215, %parallel_loop3A_216] {strides = array<i32>} : memref<80x128xf32, #tpu.memory_space<vmem>>, vector<16xf32>,
        %parallel_loop3A_218 = arith.index_cast %parallel_loop3A_144 : i32 to index
        %parallel_loop3A_219 = arith.constant 112 : index
        %parallel_loop3A_220 = tpu.vector_load %arg12[%parallel_loop3A_218, %parallel_loop3A_219] {strides = array<i32>} : memref<80x128xf32, #tpu.memory_space<vmem>>, vector<16xf32>,
        %parallel_loop3A_221 = arith.mulf %parallel_loop3A_217, %parallel_loop3A_220 : vector<16xf32>
        %parallel_loop3A_222 = arith.index_cast %parallel_loop3A_144 : i32 to index
        %parallel_loop3A_223 = arith.constant 112 : index
        %parallel_loop3A_224 = tpu.vector_load %arg10[%parallel_loop3A_222, %parallel_loop3A_223] {strides = array<i32>} : memref<80x128xf32, #tpu.memory_space<vmem>>, vector<16xf32>,
        tpu.vector_store %arg10[%parallel_loop3A_222, %parallel_loop3A_223], %parallel_loop3A_221 {strides = array<i32>} : memref<80x128xf32, #tpu.memory_space<vmem>>, vector<16xf32>,
      } {sc.loop_unroll_factor = 2 : i64, sc.parallel_access}
      %run_scoped3A_141 = arith.constant 1 : i32
      "tpu.region"() ({
        %run_scoped3A_144 = tpu.sem_alloc : memref<!tpu.dma_semaphore, #tpu.memory_space<semaphore_mem>>
        %dma_start3A_145 = arith.constant 0 : i32
        %dma_start3A_146 = tpu.memref_slice %arg8[%run_scoped3A_141, %dma_start3A_145] : memref<2x80xi32, #tpu.memory_space<vmem>> -> memref<1x80xi32, #tpu.memory_space<vmem>>
        %dma_start3A_147 = tpu.memref_squeeze %dma_start3A_146 : memref<1x80xi32, #tpu.memory_space<vmem>> -> memref<80xi32, #tpu.memory_space<vmem>>
        %dma_start3A_148 = arith.constant 0 : i32
        %dma_start3A_149 = arith.constant 0 : i32
        %dma_start3A_150 = tpu.memref_slice %arg13[%dma_start3A_148, %dma_start3A_149] : memref<10240x128xf32, #tpu.memory_space<vmem_shared>> -> memref<10240x128xf32, #tpu.memory_space<vmem_shared>>
        tpu.enqueue_indirect_dma source(%arg10 : memref<80x128xf32, #tpu.memory_space<vmem>>) target(%dma_start3A_150 : memref<10240x128xf32, #tpu.memory_space<vmem_shared>>) offsets(%dma_start3A_147 : memref<80xi32, #tpu.memory_space<vmem>>) semaphore(%run_scoped3A_144 : memref<!tpu.dma_semaphore, #tpu.memory_space<semaphore_mem>>) {add = true}
        %dma_wait3A_151 = arith.constant 0 : i32
        %dma_wait3A_152 = tpu.memref_slice %arg8[%run_scoped3A_141, %dma_wait3A_151] : memref<2x80xi32, #tpu.memory_space<vmem>> -> memref<1x80xi32, #tpu.memory_space<vmem>>
        %dma_wait3A_153 = tpu.memref_squeeze %dma_wait3A_152 : memref<1x80xi32, #tpu.memory_space<vmem>> -> memref<80xi32, #tpu.memory_space<vmem>>
        %dma_wait3A_154 = arith.constant 0 : i32
        %dma_wait3A_155 = arith.constant 0 : i32
        %dma_wait3A_156 = tpu.memref_slice %arg13[%dma_wait3A_154, %dma_wait3A_155] : memref<10240x128xf32, #tpu.memory_space<vmem_shared>> -> memref<10240x128xf32, #tpu.memory_space<vmem_shared>>
        tpu.wait_indirect_dma semaphore(%run_scoped3A_144 : memref<!tpu.dma_semaphore, #tpu.memory_space<semaphore_mem>>) src(%arg10 : memref<80x128xf32, #tpu.memory_space<vmem>>) dst(%dma_wait3A_156 : memref<10240x128xf32, #tpu.memory_space<vmem_shared>>)
        tpu.yield
      }) : () -> ()
      %lt3A = arith.constant 61 : i32
      %lt3A_142 = arith.cmpi slt, %scan3A_47, %lt3A : i32
      %convert_element_type3A = arith.extui %lt3A_142 : i1 to i32
      %cond3A = arith.constant 0 : i32
      %cond3A_143 = arith.cmpi ne, %convert_element_type3A, %cond3A : i32
      scf.if %cond3A_143 {
        %add3A_144 = arith.constant 2 : i32
        %add3A_145 = arith.addi %add3A_101, %add3A_144 : i32
        %dma_start3A_146 = arith.constant 0 : i32
        %dma_start3A_147 = arith.constant 0 : i32
        %dma_start3A_148 = tpu.memref_slice %arg4[%add3A, %add3A_145, %dma_start3A_146, %dma_start3A_147] : memref<32x125x2x80xi32, #tpu.memory_space<hbm>> -> memref<1x1x2x80xi32, #tpu.memory_space<hbm>>
        %dma_start3A_149 = tpu.memref_squeeze %dma_start3A_148 : memref<1x1x2x80xi32, #tpu.memory_space<hbm>> -> memref<2x80xi32, #tpu.memory_space<hbm>>
        %dma_start3A_150 = arith.constant 0 : i32
        %dma_start3A_151 = arith.constant 0 : i32
        %dma_start3A_152 = tpu.memref_slice %arg4[%add3A, %add3A_145, %dma_start3A_150, %dma_start3A_151] : memref<32x125x2x80xi32, #tpu.memory_space<hbm>> -> memref<1x1x2x80xi32, #tpu.memory_space<hbm>>
        %dma_start3A_153 = tpu.memref_squeeze %dma_start3A_152 : memref<1x1x2x80xi32, #tpu.memory_space<hbm>> -> memref<2x80xi32, #tpu.memory_space<hbm>>
        tpu.enqueue_dma source(%dma_start3A_153 : memref<2x80xi32, #tpu.memory_space<hbm>>) target(%arg8 : memref<2x80xi32, #tpu.memory_space<vmem>>) target_semaphore(%arg15 : memref<!tpu.dma_semaphore, #tpu.memory_space<semaphore_mem>>)
      } else {
      }
    }
    %scan3A_30 = arith.constant 62 : i32
    %dma_wait3A = arith.constant 0 : i32
    %dma_wait3A_31 = arith.constant 0 : i32
    %dma_wait3A_32 = tpu.memref_slice %arg7[%dma_wait3A, %dma_wait3A_31] : memref<2x80xi32, #tpu.memory_space<vmem>> -> memref<1x80xi32, #tpu.memory_space<vmem>>
    %dma_wait3A_33 = tpu.memref_squeeze %dma_wait3A_32 : memref<1x80xi32, #tpu.memory_space<vmem>> -> memref<80xi32, #tpu.memory_space<vmem>>
    %dma_wait3A_34 = arith.constant 0 : i32
    %dma_wait3A_35 = arith.constant 0 : i32
    %dma_wait3A_36 = tpu.memref_slice %arg2[%dma_wait3A_34, %dma_wait3A_35] : memref<10000x128xf32, #tpu.memory_space<hbm>> -> memref<10000x128xf32, #tpu.memory_space<hbm>>
    tpu.wait_indirect_dma semaphore(%arg16 : memref<!tpu.dma_semaphore, #tpu.memory_space<semaphore_mem>>) src(%dma_wait3A_36 : memref<10000x128xf32, #tpu.memory_space<hbm>>) dst(%arg9 : memref<80x128xf32, #tpu.memory_space<vmem>>)
    %dma_wait3A_37 = arith.constant 0 : i32
    %dma_wait3A_38 = tpu.memref_slice %arg3[%mul3A_2, %dma_wait3A_37] : memref<320000x128xf32, #tpu.memory_space<hbm>> -> memref<80x128xf32, #tpu.memory_space<hbm>>
    %dma_wait3A_39 = arith.constant 0 : i32
    %dma_wait3A_40 = tpu.memref_slice %arg3[%mul3A_2, %dma_wait3A_39] : memref<320000x128xf32, #tpu.memory_space<hbm>> -> memref<80x128xf32, #tpu.memory_space<hbm>>
    tpu.wait_dma2 semaphore(%arg18 : memref<!tpu.dma_semaphore, #tpu.memory_space<semaphore_mem>>) src(%dma_wait3A_40 : memref<80x128xf32, #tpu.memory_space<hbm>>) dst(%arg11 : memref<80x128xf32, #tpu.memory_space<vmem>>)
    %parallel_loop3A = arith.constant 0 : i32
    %parallel_loop3A_41 = arith.constant 80 : i32
    %parallel_loop3A_42 = arith.constant 1 : i32
    scf.for %parallel_loop3A_47 = %parallel_loop3A to %parallel_loop3A_41 step %parallel_loop3A_42  : i32 {
      %parallel_loop3A_48 = arith.index_cast %parallel_loop3A_47 : i32 to index
      %parallel_loop3A_49 = arith.constant 0 : index
      %parallel_loop3A_50 = tpu.vector_load %arg9[%parallel_loop3A_48, %parallel_loop3A_49] {strides = array<i32>} : memref<80x128xf32, #tpu.memory_space<vmem>>, vector<16xf32>,
      %parallel_loop3A_51 = arith.index_cast %parallel_loop3A_47 : i32 to index
      %parallel_loop3A_52 = arith.constant 0 : index
      %parallel_loop3A_53 = tpu.vector_load %arg11[%parallel_loop3A_51, %parallel_loop3A_52] {strides = array<i32>} : memref<80x128xf32, #tpu.memory_space<vmem>>, vector<16xf32>,
      %parallel_loop3A_54 = arith.mulf %parallel_loop3A_50, %parallel_loop3A_53 : vector<16xf32>
      %parallel_loop3A_55 = arith.index_cast %parallel_loop3A_47 : i32 to index
      %parallel_loop3A_56 = arith.constant 0 : index
      %parallel_loop3A_57 = tpu.vector_load %arg9[%parallel_loop3A_55, %parallel_loop3A_56] {strides = array<i32>} : memref<80x128xf32, #tpu.memory_space<vmem>>, vector<16xf32>,
      tpu.vector_store %arg9[%parallel_loop3A_55, %parallel_loop3A_56], %parallel_loop3A_54 {strides = array<i32>} : memref<80x128xf32, #tpu.memory_space<vmem>>, vector<16xf32>,
      %parallel_loop3A_58 = arith.index_cast %parallel_loop3A_47 : i32 to index
      %parallel_loop3A_59 = arith.constant 16 : index
      %parallel_loop3A_60 = tpu.vector_load %arg9[%parallel_loop3A_58, %parallel_loop3A_59] {strides = array<i32>} : memref<80x128xf32, #tpu.memory_space<vmem>>, vector<16xf32>,
      %parallel_loop3A_61 = arith.index_cast %parallel_loop3A_47 : i32 to index
      %parallel_loop3A_62 = arith.constant 16 : index
      %parallel_loop3A_63 = tpu.vector_load %arg11[%parallel_loop3A_61, %parallel_loop3A_62] {strides = array<i32>} : memref<80x128xf32, #tpu.memory_space<vmem>>, vector<16xf32>,
      %parallel_loop3A_64 = arith.mulf %parallel_loop3A_60, %parallel_loop3A_63 : vector<16xf32>
      %parallel_loop3A_65 = arith.index_cast %parallel_loop3A_47 : i32 to index
      %parallel_loop3A_66 = arith.constant 16 : index
      %parallel_loop3A_67 = tpu.vector_load %arg9[%parallel_loop3A_65, %parallel_loop3A_66] {strides = array<i32>} : memref<80x128xf32, #tpu.memory_space<vmem>>, vector<16xf32>,
      tpu.vector_store %arg9[%parallel_loop3A_65, %parallel_loop3A_66], %parallel_loop3A_64 {strides = array<i32>} : memref<80x128xf32, #tpu.memory_space<vmem>>, vector<16xf32>,
      %parallel_loop3A_68 = arith.index_cast %parallel_loop3A_47 : i32 to index
      %parallel_loop3A_69 = arith.constant 32 : index
      %parallel_loop3A_70 = tpu.vector_load %arg9[%parallel_loop3A_68, %parallel_loop3A_69] {strides = array<i32>} : memref<80x128xf32, #tpu.memory_space<vmem>>, vector<16xf32>,
      %parallel_loop3A_71 = arith.index_cast %parallel_loop3A_47 : i32 to index
      %parallel_loop3A_72 = arith.constant 32 : index
      %parallel_loop3A_73 = tpu.vector_load %arg11[%parallel_loop3A_71, %parallel_loop3A_72] {strides = array<i32>} : memref<80x128xf32, #tpu.memory_space<vmem>>, vector<16xf32>,
      %parallel_loop3A_74 = arith.mulf %parallel_loop3A_70, %parallel_loop3A_73 : vector<16xf32>
      %parallel_loop3A_75 = arith.index_cast %parallel_loop3A_47 : i32 to index
      %parallel_loop3A_76 = arith.constant 32 : index
      %parallel_loop3A_77 = tpu.vector_load %arg9[%parallel_loop3A_75, %parallel_loop3A_76] {strides = array<i32>} : memref<80x128xf32, #tpu.memory_space<vmem>>, vector<16xf32>,
      tpu.vector_store %arg9[%parallel_loop3A_75, %parallel_loop3A_76], %parallel_loop3A_74 {strides = array<i32>} : memref<80x128xf32, #tpu.memory_space<vmem>>, vector<16xf32>,
      %parallel_loop3A_78 = arith.index_cast %parallel_loop3A_47 : i32 to index
      %parallel_loop3A_79 = arith.constant 48 : index
      %parallel_loop3A_80 = tpu.vector_load %arg9[%parallel_loop3A_78, %parallel_loop3A_79] {strides = array<i32>} : memref<80x128xf32, #tpu.memory_space<vmem>>, vector<16xf32>,
      %parallel_loop3A_81 = arith.index_cast %parallel_loop3A_47 : i32 to index
      %parallel_loop3A_82 = arith.constant 48 : index
      %parallel_loop3A_83 = tpu.vector_load %arg11[%parallel_loop3A_81, %parallel_loop3A_82] {strides = array<i32>} : memref<80x128xf32, #tpu.memory_space<vmem>>, vector<16xf32>,
      %parallel_loop3A_84 = arith.mulf %parallel_loop3A_80, %parallel_loop3A_83 : vector<16xf32>
      %parallel_loop3A_85 = arith.index_cast %parallel_loop3A_47 : i32 to index
      %parallel_loop3A_86 = arith.constant 48 : index
      %parallel_loop3A_87 = tpu.vector_load %arg9[%parallel_loop3A_85, %parallel_loop3A_86] {strides = array<i32>} : memref<80x128xf32, #tpu.memory_space<vmem>>, vector<16xf32>,
      tpu.vector_store %arg9[%parallel_loop3A_85, %parallel_loop3A_86], %parallel_loop3A_84 {strides = array<i32>} : memref<80x128xf32, #tpu.memory_space<vmem>>, vector<16xf32>,
      %parallel_loop3A_88 = arith.index_cast %parallel_loop3A_47 : i32 to index
      %parallel_loop3A_89 = arith.constant 64 : index
      %parallel_loop3A_90 = tpu.vector_load %arg9[%parallel_loop3A_88, %parallel_loop3A_89] {strides = array<i32>} : memref<80x128xf32, #tpu.memory_space<vmem>>, vector<16xf32>,
      %parallel_loop3A_91 = arith.index_cast %parallel_loop3A_47 : i32 to index
      %parallel_loop3A_92 = arith.constant 64 : index
      %parallel_loop3A_93 = tpu.vector_load %arg11[%parallel_loop3A_91, %parallel_loop3A_92] {strides = array<i32>} : memref<80x128xf32, #tpu.memory_space<vmem>>, vector<16xf32>,
      %parallel_loop3A_94 = arith.mulf %parallel_loop3A_90, %parallel_loop3A_93 : vector<16xf32>
      %parallel_loop3A_95 = arith.index_cast %parallel_loop3A_47 : i32 to index
      %parallel_loop3A_96 = arith.constant 64 : index
      %parallel_loop3A_97 = tpu.vector_load %arg9[%parallel_loop3A_95, %parallel_loop3A_96] {strides = array<i32>} : memref<80x128xf32, #tpu.memory_space<vmem>>, vector<16xf32>,
      tpu.vector_store %arg9[%parallel_loop3A_95, %parallel_loop3A_96], %parallel_loop3A_94 {strides = array<i32>} : memref<80x128xf32, #tpu.memory_space<vmem>>, vector<16xf32>,
      %parallel_loop3A_98 = arith.index_cast %parallel_loop3A_47 : i32 to index
      %parallel_loop3A_99 = arith.constant 80 : index
      %parallel_loop3A_100 = tpu.vector_load %arg9[%parallel_loop3A_98, %parallel_loop3A_99] {strides = array<i32>} : memref<80x128xf32, #tpu.memory_space<vmem>>, vector<16xf32>,
      %parallel_loop3A_101 = arith.index_cast %parallel_loop3A_47 : i32 to index
      %parallel_loop3A_102 = arith.constant 80 : index
      %parallel_loop3A_103 = tpu.vector_load %arg11[%parallel_loop3A_101, %parallel_loop3A_102] {strides = array<i32>} : memref<80x128xf32, #tpu.memory_space<vmem>>, vector<16xf32>,
      %parallel_loop3A_104 = arith.mulf %parallel_loop3A_100, %parallel_loop3A_103 : vector<16xf32>
      %parallel_loop3A_105 = arith.index_cast %parallel_loop3A_47 : i32 to index
      %parallel_loop3A_106 = arith.constant 80 : index
      %parallel_loop3A_107 = tpu.vector_load %arg9[%parallel_loop3A_105, %parallel_loop3A_106] {strides = array<i32>} : memref<80x128xf32, #tpu.memory_space<vmem>>, vector<16xf32>,
      tpu.vector_store %arg9[%parallel_loop3A_105, %parallel_loop3A_106], %parallel_loop3A_104 {strides = array<i32>} : memref<80x128xf32, #tpu.memory_space<vmem>>, vector<16xf32>,
      %parallel_loop3A_108 = arith.index_cast %parallel_loop3A_47 : i32 to index
      %parallel_loop3A_109 = arith.constant 96 : index
      %parallel_loop3A_110 = tpu.vector_load %arg9[%parallel_loop3A_108, %parallel_loop3A_109] {strides = array<i32>} : memref<80x128xf32, #tpu.memory_space<vmem>>, vector<16xf32>,
      %parallel_loop3A_111 = arith.index_cast %parallel_loop3A_47 : i32 to index
      %parallel_loop3A_112 = arith.constant 96 : index
      %parallel_loop3A_113 = tpu.vector_load %arg11[%parallel_loop3A_111, %parallel_loop3A_112] {strides = array<i32>} : memref<80x128xf32, #tpu.memory_space<vmem>>, vector<16xf32>,
      %parallel_loop3A_114 = arith.mulf %parallel_loop3A_110, %parallel_loop3A_113 : vector<16xf32>
      %parallel_loop3A_115 = arith.index_cast %parallel_loop3A_47 : i32 to index
      %parallel_loop3A_116 = arith.constant 96 : index
      %parallel_loop3A_117 = tpu.vector_load %arg9[%parallel_loop3A_115, %parallel_loop3A_116] {strides = array<i32>} : memref<80x128xf32, #tpu.memory_space<vmem>>, vector<16xf32>,
      tpu.vector_store %arg9[%parallel_loop3A_115, %parallel_loop3A_116], %parallel_loop3A_114 {strides = array<i32>} : memref<80x128xf32, #tpu.memory_space<vmem>>, vector<16xf32>,
      %parallel_loop3A_118 = arith.index_cast %parallel_loop3A_47 : i32 to index
      %parallel_loop3A_119 = arith.constant 112 : index
      %parallel_loop3A_120 = tpu.vector_load %arg9[%parallel_loop3A_118, %parallel_loop3A_119] {strides = array<i32>} : memref<80x128xf32, #tpu.memory_space<vmem>>, vector<16xf32>,
      %parallel_loop3A_121 = arith.index_cast %parallel_loop3A_47 : i32 to index
      %parallel_loop3A_122 = arith.constant 112 : index
      %parallel_loop3A_123 = tpu.vector_load %arg11[%parallel_loop3A_121, %parallel_loop3A_122] {strides = array<i32>} : memref<80x128xf32, #tpu.memory_space<vmem>>, vector<16xf32>,
      %parallel_loop3A_124 = arith.mulf %parallel_loop3A_120, %parallel_loop3A_123 : vector<16xf32>
      %parallel_loop3A_125 = arith.index_cast %parallel_loop3A_47 : i32 to index
      %parallel_loop3A_126 = arith.constant 112 : index
      %parallel_loop3A_127 = tpu.vector_load %arg9[%parallel_loop3A_125, %parallel_loop3A_126] {strides = array<i32>} : memref<80x128xf32, #tpu.memory_space<vmem>>, vector<16xf32>,
      tpu.vector_store %arg9[%parallel_loop3A_125, %parallel_loop3A_126], %parallel_loop3A_124 {strides = array<i32>} : memref<80x128xf32, #tpu.memory_space<vmem>>, vector<16xf32>,
    } {sc.loop_unroll_factor = 2 : i64, sc.parallel_access}
    %run_scoped3A_43 = arith.constant 1 : i32
    "tpu.region"() ({
      %run_scoped3A_47 = tpu.sem_alloc : memref<!tpu.dma_semaphore, #tpu.memory_space<semaphore_mem>>
      %dma_start3A_48 = arith.constant 0 : i32
      %dma_start3A_49 = tpu.memref_slice %arg7[%run_scoped3A_43, %dma_start3A_48] : memref<2x80xi32, #tpu.memory_space<vmem>> -> memref<1x80xi32, #tpu.memory_space<vmem>>
      %dma_start3A_50 = tpu.memref_squeeze %dma_start3A_49 : memref<1x80xi32, #tpu.memory_space<vmem>> -> memref<80xi32, #tpu.memory_space<vmem>>
      %dma_start3A_51 = arith.constant 0 : i32
      %dma_start3A_52 = arith.constant 0 : i32
      %dma_start3A_53 = tpu.memref_slice %arg13[%dma_start3A_51, %dma_start3A_52] : memref<10240x128xf32, #tpu.memory_space<vmem_shared>> -> memref<10240x128xf32, #tpu.memory_space<vmem_shared>>
      tpu.enqueue_indirect_dma source(%arg9 : memref<80x128xf32, #tpu.memory_space<vmem>>) target(%dma_start3A_53 : memref<10240x128xf32, #tpu.memory_space<vmem_shared>>) offsets(%dma_start3A_50 : memref<80xi32, #tpu.memory_space<vmem>>) semaphore(%run_scoped3A_47 : memref<!tpu.dma_semaphore, #tpu.memory_space<semaphore_mem>>) {add = true}
      %dma_wait3A_54 = arith.constant 0 : i32
      %dma_wait3A_55 = tpu.memref_slice %arg7[%run_scoped3A_43, %dma_wait3A_54] : memref<2x80xi32, #tpu.memory_space<vmem>> -> memref<1x80xi32, #tpu.memory_space<vmem>>
      %dma_wait3A_56 = tpu.memref_squeeze %dma_wait3A_55 : memref<1x80xi32, #tpu.memory_space<vmem>> -> memref<80xi32, #tpu.memory_space<vmem>>
      %dma_wait3A_57 = arith.constant 0 : i32
      %dma_wait3A_58 = arith.constant 0 : i32
      %dma_wait3A_59 = tpu.memref_slice %arg13[%dma_wait3A_57, %dma_wait3A_58] : memref<10240x128xf32, #tpu.memory_space<vmem_shared>> -> memref<10240x128xf32, #tpu.memory_space<vmem_shared>>
      tpu.wait_indirect_dma semaphore(%run_scoped3A_47 : memref<!tpu.dma_semaphore, #tpu.memory_space<semaphore_mem>>) src(%arg9 : memref<80x128xf32, #tpu.memory_space<vmem>>) dst(%dma_wait3A_59 : memref<10240x128xf32, #tpu.memory_space<vmem_shared>>)
      tpu.yield
    }) : () -> ()
    %barrier3A_44 = arith.constant 0 : index
    tpu.barrier barrier_id(%barrier3A_44)
    %mul3A_45 = arith.constant 640 : i32
    %mul3A_46 = arith.muli %arg1, %mul3A_45 : i32
    "tpu.region"() ({
      %run_scoped3A_47 = tpu.sem_alloc : memref<!tpu.dma_semaphore, #tpu.memory_space<semaphore_mem>>
      %dma_start3A_48 = arith.constant 0 : i32
      %dma_start3A_49 = arith.constant 0 : i32
      %dma_start3A_50 = tpu.memref_slice %arg6[%add3A, %dma_start3A_48, %dma_start3A_49] : memref<32x640x128xf32, #tpu.memory_space<hbm>> -> memref<1x640x128xf32, #tpu.memory_space<hbm>>
      %dma_start3A_51 = tpu.memref_squeeze %dma_start3A_50 : memref<1x640x128xf32, #tpu.memory_space<hbm>> -> memref<640x128xf32, #tpu.memory_space<hbm>>
      %dma_start3A_52 = arith.constant 0 : i32
      %dma_start3A_53 = tpu.memref_slice %arg13[%mul3A_46, %dma_start3A_52] : memref<10240x128xf32, #tpu.memory_space<vmem_shared>> -> memref<640x128xf32, #tpu.memory_space<vmem_shared>>
      tpu.enqueue_dma source(%dma_start3A_53 : memref<640x128xf32, #tpu.memory_space<vmem_shared>>) target(%dma_start3A_51 : memref<640x128xf32, #tpu.memory_space<hbm>>) target_semaphore(%run_scoped3A_47 : memref<!tpu.dma_semaphore, #tpu.memory_space<semaphore_mem>>)
      %dma_wait3A_54 = arith.constant 0 : i32
      %dma_wait3A_55 = arith.constant 0 : i32
      %dma_wait3A_56 = tpu.memref_slice %arg6[%add3A, %dma_wait3A_54, %dma_wait3A_55] : memref<32x640x128xf32, #tpu.memory_space<hbm>> -> memref<1x640x128xf32, #tpu.memory_space<hbm>>
      %dma_wait3A_57 = tpu.memref_squeeze %dma_wait3A_56 : memref<1x640x128xf32, #tpu.memory_space<hbm>> -> memref<640x128xf32, #tpu.memory_space<hbm>>
      %dma_wait3A_58 = arith.constant 0 : i32
      %dma_wait3A_59 = tpu.memref_slice %arg13[%mul3A_46, %dma_wait3A_58] : memref<10240x128xf32, #tpu.memory_space<vmem_shared>> -> memref<640x128xf32, #tpu.memory_space<vmem_shared>>
      tpu.wait_dma2 semaphore(%run_scoped3A_47 : memref<!tpu.dma_semaphore, #tpu.memory_space<semaphore_mem>>) src(%dma_wait3A_59 : memref<640x128xf32, #tpu.memory_space<vmem_shared>>) dst(%dma_wait3A_57 : memref<640x128xf32, #tpu.memory_space<hbm>>)
      tpu.yield
    }) : () -> ()
    return
  }
}

module attributes {stable_mosaic.version = 14 : i64} {
  func.func @_lin1_body(%arg0: i32, %arg1: memref<2000x128xf32, #tpu.memory_space<vmem>>, %arg2: memref<128x128xf32, #tpu.memory_space<vmem>>, %arg3: memref<2000x128xf32, #tpu.memory_space<vmem>>) attributes {dimension_semantics = [#tpu.dimension_semantics<arbitrary>], iteration_bounds = array<i64: 5>, scalar_prefetch = 0 : i64, scratch_operands = 0 : i64, tpu.core_type = #tpu.core_type<tc>, window_params = [{transform_indices = @transform_0, window_bounds = array<i64: 2000, 128>}, {pipeline_mode = #tpu.pipeline_mode<synchronous>, transform_indices = @transform_1, window_bounds = array<i64: 128, 128>}, {transform_indices = @transform_2, window_bounds = array<i64: 2000, 128>}]} {
    %get3A = arith.constant 0 : index
    %get3A_0 = arith.constant 0 : index
    %get3A_1 = vector.load %arg1[%get3A, %get3A_0] : memref<2000x128xf32, #tpu.memory_space<vmem>>, vector<2000x128xf32>
    %get3A_2 = arith.constant 0 : index
    %get3A_3 = arith.constant 0 : index
    %get3A_4 = vector.load %arg2[%get3A_2, %get3A_3] : memref<128x128xf32, #tpu.memory_space<vmem>>, vector<128x128xf32>
    %dot_general3A = arith.constant dense<0.000000e+00> : vector<2000x128xf32>
    %dot_general3A_5 = tpu.matmul %get3A_1, %get3A_4, %dot_general3A {dimension_numbers = #tpu.dot_dimension_numbers<[1], [0], [0], [1], [0, 0, 1, 1], [], []>, transpose_lhs_hint = false} : vector<2000x128xf32>, vector<128x128xf32>, vector<2000x128xf32> -> vector<2000x128xf32>
    %swap3A = arith.constant 0 : index
    %swap3A_6 = arith.constant 0 : index
    %swap3A_7 = vector.load %arg3[%swap3A, %swap3A_6] : memref<2000x128xf32, #tpu.memory_space<vmem>>, vector<2000x128xf32>
    tpu.vector_store %arg3[%swap3A, %swap3A_6], %dot_general3A_5 {strides = array<i32>} : memref<2000x128xf32, #tpu.memory_space<vmem>>, vector<2000x128xf32>,
    return
  }
  func.func @transform_0(%arg0: i32) -> (i32, i32) {
    %c0_i32 = arith.constant 0 : i32
    %c0_i32_0 = arith.constant 0 : i32
    return %arg0, %c0_i32 : i32, i32
  }
  func.func @transform_1(%arg0: i32) -> (i32, i32) {
    %c0_i32 = arith.constant 0 : i32
    %c0_i32_0 = arith.constant 0 : i32
    %c0_i32_1 = arith.constant 0 : i32
    return %c0_i32, %c0_i32_0 : i32, i32
  }
  func.func @transform_2(%arg0: i32) -> (i32, i32) {
    %c0_i32 = arith.constant 0 : i32
    %c0_i32_0 = arith.constant 0 : i32
    return %arg0, %c0_i32 : i32, i32
  }
}

module attributes {stable_mosaic.version = 14 : i64} {
  func.func @_wcw_body(%arg0: memref<8x40000xf32, #tpu.memory_space<vmem>>, %arg1: memref<8x40000xf32, #tpu.memory_space<vmem>>, %arg2: memref<8x40000xf32, #tpu.memory_space<vmem>>) attributes {dimension_semantics = [], scalar_prefetch = 0 : i64, scratch_operands = 0 : i64, tpu.core_type = #tpu.core_type<tc>} {
    %get3A = arith.constant 0 : index
    %get3A_0 = arith.constant 0 : index
    %get3A_1 = vector.load %arg0[%get3A, %get3A_0] : memref<8x40000xf32, #tpu.memory_space<vmem>>, vector<8x40000xf32>
    %add3A = arith.constant 9.99999996E-13 : f32
    %add3A_2 = vector.broadcast %add3A : f32 to vector<8x40000xf32>
    %add3A_3 = arith.addf %get3A_1, %add3A_2 : vector<8x40000xf32>
    %sqrt3A = math.sqrt %add3A_3 : vector<8x40000xf32>
    %swap3A = arith.constant 0 : index
    %swap3A_4 = arith.constant 0 : index
    %swap3A_5 = vector.load %arg1[%swap3A, %swap3A_4] : memref<8x40000xf32, #tpu.memory_space<vmem>>, vector<8x40000xf32>
    tpu.vector_store %arg1[%swap3A, %swap3A_4], %sqrt3A {strides = array<i32>} : memref<8x40000xf32, #tpu.memory_space<vmem>>, vector<8x40000xf32>,
    %mul3A = arith.constant 0.314159274 : f32
    %mul3A_6 = vector.broadcast %mul3A : f32 to vector<8x40000xf32>
    %mul3A_7 = arith.mulf %sqrt3A, %mul3A_6 : vector<8x40000xf32>
    %cos3A = math.cos %mul3A_7 : vector<8x40000xf32>
    %add3A_8 = arith.constant 1.000000e+00 : f32
    %add3A_9 = vector.broadcast %add3A_8 : f32 to vector<8x40000xf32>
    %add3A_10 = arith.addf %cos3A, %add3A_9 : vector<8x40000xf32>
    %mul3A_11 = arith.constant 5.000000e-01 : f32
    %mul3A_12 = vector.broadcast %mul3A_11 : f32 to vector<8x40000xf32>
    %mul3A_13 = arith.mulf %mul3A_12, %add3A_10 : vector<8x40000xf32>
    %swap3A_14 = arith.constant 0 : index
    %swap3A_15 = arith.constant 0 : index
    %swap3A_16 = vector.load %arg2[%swap3A_14, %swap3A_15] : memref<8x40000xf32, #tpu.memory_space<vmem>>, vector<8x40000xf32>
    tpu.vector_store %arg2[%swap3A_14, %swap3A_15], %mul3A_13 {strides = array<i32>} : memref<8x40000xf32, #tpu.memory_space<vmem>>, vector<8x40000xf32>,
    return
  }
}

module attributes {stable_mosaic.version = 14 : i64} {
  func.func @_we_body(%arg0: i32, %arg1: memref<125x2560xf32, #tpu.memory_space<vmem>>, %arg2: memref<125x2560xf32, #tpu.memory_space<vmem>>, %arg3: memref<50x128xf32, #tpu.memory_space<vmem>>, %arg4: memref<1x128xf32, #tpu.memory_space<vmem>>, %arg5: memref<128x128xf32, #tpu.memory_space<vmem>>, %arg6: memref<1x128xf32, #tpu.memory_space<vmem>>, %arg7: memref<2560x128xf32, #tpu.memory_space<vmem>>) attributes {dimension_semantics = [#tpu.dimension_semantics<arbitrary>], iteration_bounds = array<i64: 125>, scalar_prefetch = 0 : i64, scratch_operands = 0 : i64, tpu.core_type = #tpu.core_type<tc>, window_params = [{pipeline_mode = #tpu.pipeline_mode<synchronous>, transform_indices = @transform_0, window_bounds = array<i64: 125, 2560>}, {pipeline_mode = #tpu.pipeline_mode<synchronous>, transform_indices = @transform_1, window_bounds = array<i64: 125, 2560>}, {pipeline_mode = #tpu.pipeline_mode<synchronous>, transform_indices = @transform_2, window_bounds = array<i64: 50, 128>}, {pipeline_mode = #tpu.pipeline_mode<synchronous>, transform_indices = @transform_3, window_bounds = array<i64: 1, 128>}, {pipeline_mode = #tpu.pipeline_mode<synchronous>, transform_indices = @transform_4, window_bounds = array<i64: 128, 128>}, {pipeline_mode = #tpu.pipeline_mode<synchronous>, transform_indices = @transform_5, window_bounds = array<i64: 1, 128>}, {transform_indices = @transform_6, window_bounds = array<i64: 2560, 128>}]} {
    %get3A = arith.index_cast %arg0 : i32 to index
    %get3A_0 = arith.constant 0 : index
    %get3A_1 = vector.load %arg1[%get3A, %get3A_0] : memref<125x2560xf32, #tpu.memory_space<vmem>>, vector<1x2560xf32>
    %get3A_2 = arith.index_cast %arg0 : i32 to index
    %get3A_3 = arith.constant 0 : index
    %get3A_4 = vector.load %arg2[%get3A_2, %get3A_3] : memref<125x2560xf32, #tpu.memory_space<vmem>>, vector<1x2560xf32>
    %iota3A = tpu.iota {dimensions = array<i32: 0>} : vector<50x1xi32>
    %convert_element_type3A = arith.sitofp %iota3A : vector<50x1xi32> to vector<50x1xf32>
    %mul3A = arith.constant 0.20408164 : f32
    %mul3A_5 = vector.broadcast %mul3A : f32 to vector<50x1xf32>
    %mul3A_6 = arith.mulf %convert_element_type3A, %mul3A_5 : vector<50x1xf32>
    %sub3A = vector.broadcast %get3A_1 : vector<1x2560xf32> to vector<50x2560xf32>
    %sub3A_7 = vector.broadcast %mul3A_6 : vector<50x1xf32> to vector<50x2560xf32>
    %sub3A_8 = arith.subf %sub3A, %sub3A_7 : vector<50x2560xf32>
    %integer_pow3A = arith.mulf %sub3A_8, %sub3A_8 : vector<50x2560xf32>
    %mul3A_9 = arith.constant -1.200500e+01 : f32
    %mul3A_10 = vector.broadcast %mul3A_9 : f32 to vector<50x2560xf32>
    %mul3A_11 = arith.mulf %mul3A_10, %integer_pow3A : vector<50x2560xf32>
    %exp3A = math.exp %mul3A_11 : vector<50x2560xf32>
    %get3A_12 = arith.constant 0 : index
    %get3A_13 = arith.constant 0 : index
    %get3A_14 = vector.load %arg3[%get3A_12, %get3A_13] : memref<50x128xf32, #tpu.memory_space<vmem>>, vector<50x128xf32>
    %dot_general3A = arith.constant dense<0.000000e+00> : vector<2560x128xf32>
    %dot_general3A_15 = tpu.matmul %exp3A, %get3A_14, %dot_general3A {dimension_numbers = #tpu.dot_dimension_numbers<[0], [0], [1], [1], [0, 1, 1, 1], [], []>, transpose_lhs_hint = false} : vector<50x2560xf32>, vector<50x128xf32>, vector<2560x128xf32> -> vector<2560x128xf32>
    %get3A_16 = arith.constant 0 : index
    %get3A_17 = arith.constant 0 : index
    %get3A_18 = vector.load %arg4[%get3A_16, %get3A_17] : memref<1x128xf32, #tpu.memory_space<vmem>>, vector<1x128xf32>
    %add3A = vector.broadcast %get3A_18 : vector<1x128xf32> to vector<2560x128xf32>
    %add3A_19 = arith.addf %dot_general3A_15, %add3A : vector<2560x128xf32>
    %custom_jvp_call3A = arith.constant 0.000000e+00 : f32
    %max3A = vector.broadcast %custom_jvp_call3A : f32 to vector<2560x128xf32>
    %max3A_20 = arith.maximumf %add3A_19, %max3A : vector<2560x128xf32>
    %sub3A_21 = vector.broadcast %custom_jvp_call3A : f32 to vector<2560x128xf32>
    %sub3A_22 = arith.subf %add3A_19, %sub3A_21 : vector<2560x128xf32>
    %ne3A = arith.cmpf one, %sub3A_22, %sub3A_22 : vector<2560x128xf32>
    %add3A_23 = vector.broadcast %custom_jvp_call3A : f32 to vector<2560x128xf32>
    %add3A_24 = arith.addf %add3A_19, %add3A_23 : vector<2560x128xf32>
    %abs3A = math.absf %sub3A_22 : vector<2560x128xf32>
    %neg3A = arith.constant 0.000000e+00 : f32
    %neg3A_25 = vector.broadcast %neg3A : f32 to vector<2560x128xf32>
    %neg3A_26 = arith.subf %neg3A_25, %abs3A : vector<2560x128xf32>
    %exp3A_27 = math.exp %neg3A_26 : vector<2560x128xf32>
    %log1p3A = math.log1p %exp3A_27 : vector<2560x128xf32>
    %add3A_28 = arith.addf %max3A_20, %log1p3A : vector<2560x128xf32>
    %select_n3A = arith.select %ne3A, %add3A_24, %add3A_28 : vector<2560x128xi1>, vector<2560x128xf32>
    %log3A = arith.constant 2.000000e+00 : f32
    %log3A_29 = math.log %log3A : f32
    %sub3A_30 = vector.broadcast %log3A_29 : f32 to vector<2560x128xf32>
    %sub3A_31 = arith.subf %select_n3A, %sub3A_30 : vector<2560x128xf32>
    %get3A_32 = arith.constant 0 : index
    %get3A_33 = arith.constant 0 : index
    %get3A_34 = vector.load %arg5[%get3A_32, %get3A_33] : memref<128x128xf32, #tpu.memory_space<vmem>>, vector<128x128xf32>
    %dot_general3A_35 = arith.constant dense<0.000000e+00> : vector<2560x128xf32>
    %dot_general3A_36 = tpu.matmul %sub3A_31, %get3A_34, %dot_general3A_35 {dimension_numbers = #tpu.dot_dimension_numbers<[1], [0], [0], [1], [0, 0, 1, 1], [], []>, transpose_lhs_hint = false} : vector<2560x128xf32>, vector<128x128xf32>, vector<2560x128xf32> -> vector<2560x128xf32>
    %get3A_37 = arith.constant 0 : index
    %get3A_38 = arith.constant 0 : index
    %get3A_39 = vector.load %arg6[%get3A_37, %get3A_38] : memref<1x128xf32, #tpu.memory_space<vmem>>, vector<1x128xf32>
    %add3A_40 = vector.broadcast %get3A_39 : vector<1x128xf32> to vector<2560x128xf32>
    %add3A_41 = arith.addf %dot_general3A_36, %add3A_40 : vector<2560x128xf32>
    %broadcast_in_dim3A = arith.constant 1.000000e+00 : f32
    %broadcast_in_dim3A_42 = vector.broadcast %broadcast_in_dim3A : f32 to vector<1x1xf32>
    %dot_general3A_43 = arith.constant dense<0.000000e+00> : vector<2560x1xf32>
    %dot_general3A_44 = tpu.matmul %get3A_4, %broadcast_in_dim3A_42, %dot_general3A_43 {dimension_numbers = #tpu.dot_dimension_numbers<[0], [0], [1], [1], [0, 1, 1, 1], [], []>, transpose_lhs_hint = false} : vector<1x2560xf32>, vector<1x1xf32>, vector<2560x1xf32> -> vector<2560x1xf32>
    %mul3A_45 = vector.broadcast %dot_general3A_44 : vector<2560x1xf32> to vector<2560x128xf32>
    %mul3A_46 = arith.mulf %add3A_41, %mul3A_45 : vector<2560x128xf32>
    %swap3A = arith.constant 0 : index
    %swap3A_47 = arith.constant 0 : index
    %swap3A_48 = vector.load %arg7[%swap3A, %swap3A_47] : memref<2560x128xf32, #tpu.memory_space<vmem>>, vector<2560x128xf32>
    tpu.vector_store %arg7[%swap3A, %swap3A_47], %mul3A_46 {strides = array<i32>} : memref<2560x128xf32, #tpu.memory_space<vmem>>, vector<2560x128xf32>,
    return
  }
  func.func @transform_0(%arg0: i32) -> (i32, i32) {
    %c0_i32 = arith.constant 0 : i32
    %c0_i32_0 = arith.constant 0 : i32
    %c0_i32_1 = arith.constant 0 : i32
    return %c0_i32, %c0_i32_0 : i32, i32
  }
  func.func @transform_1(%arg0: i32) -> (i32, i32) {
    %c0_i32 = arith.constant 0 : i32
    %c0_i32_0 = arith.constant 0 : i32
    %c0_i32_1 = arith.constant 0 : i32
    return %c0_i32, %c0_i32_0 : i32, i32
  }
  func.func @transform_2(%arg0: i32) -> (i32, i32) {
    %c0_i32 = arith.constant 0 : i32
    %c0_i32_0 = arith.constant 0 : i32
    %c0_i32_1 = arith.constant 0 : i32
    return %c0_i32, %c0_i32_0 : i32, i32
  }
  func.func @transform_3(%arg0: i32) -> (i32, i32) {
    %c0_i32 = arith.constant 0 : i32
    %c0_i32_0 = arith.constant 0 : i32
    %c0_i32_1 = arith.constant 0 : i32
    return %c0_i32, %c0_i32_0 : i32, i32
  }
  func.func @transform_4(%arg0: i32) -> (i32, i32) {
    %c0_i32 = arith.constant 0 : i32
    %c0_i32_0 = arith.constant 0 : i32
    %c0_i32_1 = arith.constant 0 : i32
    return %c0_i32, %c0_i32_0 : i32, i32
  }
  func.func @transform_5(%arg0: i32) -> (i32, i32) {
    %c0_i32 = arith.constant 0 : i32
    %c0_i32_0 = arith.constant 0 : i32
    %c0_i32_1 = arith.constant 0 : i32
    return %c0_i32, %c0_i32_0 : i32, i32
  }
  func.func @transform_6(%arg0: i32) -> (i32, i32) {
    %c0_i32 = arith.constant 0 : i32
    %c0_i32_0 = arith.constant 0 : i32
    return %arg0, %c0_i32 : i32, i32
  }
}

module attributes {stable_mosaic.version = 14 : i64} {
  func.func @_tail_body(%arg0: i32, %arg1: memref<2x2000x128xf32, #tpu.memory_space<vmem>>, %arg2: memref<128x128xf32, #tpu.memory_space<vmem>>, %arg3: memref<1x128xf32, #tpu.memory_space<vmem>>, %arg4: memref<128x128xf32, #tpu.memory_space<vmem>>, %arg5: memref<1x128xf32, #tpu.memory_space<vmem>>, %arg6: memref<2000x128xf32, #tpu.memory_space<vmem>>) attributes {dimension_semantics = [#tpu.dimension_semantics<arbitrary>], iteration_bounds = array<i64: 5>, scalar_prefetch = 0 : i64, scratch_operands = 0 : i64, tpu.core_type = #tpu.core_type<tc>, window_params = [{transform_indices = @transform_0, window_bounds = array<i64: 2, 2000, 128>}, {pipeline_mode = #tpu.pipeline_mode<synchronous>, transform_indices = @transform_1, window_bounds = array<i64: 128, 128>}, {pipeline_mode = #tpu.pipeline_mode<synchronous>, transform_indices = @transform_2, window_bounds = array<i64: 1, 128>}, {pipeline_mode = #tpu.pipeline_mode<synchronous>, transform_indices = @transform_3, window_bounds = array<i64: 128, 128>}, {pipeline_mode = #tpu.pipeline_mode<synchronous>, transform_indices = @transform_4, window_bounds = array<i64: 1, 128>}, {transform_indices = @transform_5, window_bounds = array<i64: 2000, 128>}]} {
    %get3A = arith.constant 0 : index
    %get3A_0 = arith.constant 0 : index
    %get3A_1 = arith.constant 0 : index
    %get3A_2 = vector.load %arg1[%get3A, %get3A_0, %get3A_1] : memref<2x2000x128xf32, #tpu.memory_space<vmem>>, vector<1x2000x128xf32>
    %get3A_3 = vector.shape_cast %get3A_2 : vector<1x2000x128xf32> to vector<2000x128xf32>
    %get3A_4 = arith.constant 1 : index
    %get3A_5 = arith.constant 0 : index
    %get3A_6 = arith.constant 0 : index
    %get3A_7 = vector.load %arg1[%get3A_4, %get3A_5, %get3A_6] : memref<2x2000x128xf32, #tpu.memory_space<vmem>>, vector<1x2000x128xf32>
    %get3A_8 = vector.shape_cast %get3A_7 : vector<1x2000x128xf32> to vector<2000x128xf32>
    %add3A = arith.addf %get3A_3, %get3A_8 : vector<2000x128xf32>
    %get3A_9 = arith.constant 0 : index
    %get3A_10 = arith.constant 0 : index
    %get3A_11 = vector.load %arg2[%get3A_9, %get3A_10] : memref<128x128xf32, #tpu.memory_space<vmem>>, vector<128x128xf32>
    %dot_general3A = arith.constant dense<0.000000e+00> : vector<2000x128xf32>
    %dot_general3A_12 = tpu.matmul %add3A, %get3A_11, %dot_general3A {dimension_numbers = #tpu.dot_dimension_numbers<[1], [0], [0], [1], [0, 0, 1, 1], [], []>, transpose_lhs_hint = false} : vector<2000x128xf32>, vector<128x128xf32>, vector<2000x128xf32> -> vector<2000x128xf32>
    %get3A_13 = arith.constant 0 : index
    %get3A_14 = arith.constant 0 : index
    %get3A_15 = vector.load %arg3[%get3A_13, %get3A_14] : memref<1x128xf32, #tpu.memory_space<vmem>>, vector<1x128xf32>
    %add3A_16 = vector.broadcast %get3A_15 : vector<1x128xf32> to vector<2000x128xf32>
    %add3A_17 = arith.addf %dot_general3A_12, %add3A_16 : vector<2000x128xf32>
    %custom_jvp_call3A = arith.constant 0.000000e+00 : f32
    %max3A = vector.broadcast %custom_jvp_call3A : f32 to vector<2000x128xf32>
    %max3A_18 = arith.maximumf %add3A_17, %max3A : vector<2000x128xf32>
    %sub3A = vector.broadcast %custom_jvp_call3A : f32 to vector<2000x128xf32>
    %sub3A_19 = arith.subf %add3A_17, %sub3A : vector<2000x128xf32>
    %ne3A = arith.cmpf one, %sub3A_19, %sub3A_19 : vector<2000x128xf32>
    %add3A_20 = vector.broadcast %custom_jvp_call3A : f32 to vector<2000x128xf32>
    %add3A_21 = arith.addf %add3A_17, %add3A_20 : vector<2000x128xf32>
    %abs3A = math.absf %sub3A_19 : vector<2000x128xf32>
    %neg3A = arith.constant 0.000000e+00 : f32
    %neg3A_22 = vector.broadcast %neg3A : f32 to vector<2000x128xf32>
    %neg3A_23 = arith.subf %neg3A_22, %abs3A : vector<2000x128xf32>
    %exp3A = math.exp %neg3A_23 : vector<2000x128xf32>
    %log1p3A = math.log1p %exp3A : vector<2000x128xf32>
    %add3A_24 = arith.addf %max3A_18, %log1p3A : vector<2000x128xf32>
    %select_n3A = arith.select %ne3A, %add3A_21, %add3A_24 : vector<2000x128xi1>, vector<2000x128xf32>
    %log3A = arith.constant 2.000000e+00 : f32
    %log3A_25 = math.log %log3A : f32
    %sub3A_26 = vector.broadcast %log3A_25 : f32 to vector<2000x128xf32>
    %sub3A_27 = arith.subf %select_n3A, %sub3A_26 : vector<2000x128xf32>
    %get3A_28 = arith.constant 0 : index
    %get3A_29 = arith.constant 0 : index
    %get3A_30 = vector.load %arg4[%get3A_28, %get3A_29] : memref<128x128xf32, #tpu.memory_space<vmem>>, vector<128x128xf32>
    %dot_general3A_31 = arith.constant dense<0.000000e+00> : vector<2000x128xf32>
    %dot_general3A_32 = tpu.matmul %sub3A_27, %get3A_30, %dot_general3A_31 {dimension_numbers = #tpu.dot_dimension_numbers<[1], [0], [0], [1], [0, 0, 1, 1], [], []>, transpose_lhs_hint = false} : vector<2000x128xf32>, vector<128x128xf32>, vector<2000x128xf32> -> vector<2000x128xf32>
    %get3A_33 = arith.constant 0 : index
    %get3A_34 = arith.constant 0 : index
    %get3A_35 = vector.load %arg5[%get3A_33, %get3A_34] : memref<1x128xf32, #tpu.memory_space<vmem>>, vector<1x128xf32>
    %add3A_36 = vector.broadcast %get3A_35 : vector<1x128xf32> to vector<2000x128xf32>
    %add3A_37 = arith.addf %dot_general3A_32, %add3A_36 : vector<2000x128xf32>
    %swap3A = arith.constant 0 : index
    %swap3A_38 = arith.constant 0 : index
    %swap3A_39 = vector.load %arg6[%swap3A, %swap3A_38] : memref<2000x128xf32, #tpu.memory_space<vmem>>, vector<2000x128xf32>
    tpu.vector_store %arg6[%swap3A, %swap3A_38], %add3A_37 {strides = array<i32>} : memref<2000x128xf32, #tpu.memory_space<vmem>>, vector<2000x128xf32>,
    return
  }
  func.func @transform_0(%arg0: i32) -> (i32, i32, i32) {
    %c0_i32 = arith.constant 0 : i32
    %c0_i32_0 = arith.constant 0 : i32
    %c0_i32_1 = arith.constant 0 : i32
    return %c0_i32, %arg0, %c0_i32_0 : i32, i32, i32
  }
  func.func @transform_1(%arg0: i32) -> (i32, i32) {
    %c0_i32 = arith.constant 0 : i32
    %c0_i32_0 = arith.constant 0 : i32
    %c0_i32_1 = arith.constant 0 : i32
    return %c0_i32, %c0_i32_0 : i32, i32
  }
  func.func @transform_2(%arg0: i32) -> (i32, i32) {
    %c0_i32 = arith.constant 0 : i32
    %c0_i32_0 = arith.constant 0 : i32
    %c0_i32_1 = arith.constant 0 : i32
    return %c0_i32, %c0_i32_0 : i32, i32
  }
  func.func @transform_3(%arg0: i32) -> (i32, i32) {
    %c0_i32 = arith.constant 0 : i32
    %c0_i32_0 = arith.constant 0 : i32
    %c0_i32_1 = arith.constant 0 : i32
    return %c0_i32, %c0_i32_0 : i32, i32
  }
  func.func @transform_4(%arg0: i32) -> (i32, i32) {
    %c0_i32 = arith.constant 0 : i32
    %c0_i32_0 = arith.constant 0 : i32
    %c0_i32_1 = arith.constant 0 : i32
    return %c0_i32, %c0_i32_0 : i32, i32
  }
  func.func @transform_5(%arg0: i32) -> (i32, i32) {
    %c0_i32 = arith.constant 0 : i32
    %c0_i32_0 = arith.constant 0 : i32
    return %arg0, %c0_i32 : i32, i32
  }
}

</mosaic_0001>

<sc_bundles>
// kernel: kernel.11.cloned.1.call-start
scs
__scs_entry_jumppad:
0x0: {  	(pc) =	sbr.rel $0x88, $3  }
0x1: {  	(tag) =	ssettag $0x0;
	lr =	simm.s32 $0x1  }
0x2: {  	[smem:$0x3F95] =	sst lr;
	_ =	strace $0xD0000000  }
0x3: {  	_ = 	snop  }
0x4: {  	_ = 	snop  }
0x5: {  	_ = 	snop  }
0x6: {  	_ = 	snop  }
0x7: {  	_ = 	snop  }
__scs_overlays_trampoline_lowered:
0x8: {  	[smem:$0x3FA4] =	sst s0  }
0x9: {  	[smem:$0x3FA5] =	sst s1  }
0xa: {  	[smem:$0x3FA6] =	sst s2  }
0xb: {  	[smem:$0x3FA7] =	sst s3  }
0xc: {  	[smem:$0x3FA8] =	sst s4  }
0xd: {  	[smem:$0x3FA9] =	sst s5  }
0xe: {  	[smem:$0x3FAA] =	sst s6  }
0xf: {  	[smem:$0x3FAB] =	sst s7  }
0x10: {  	[smem:$0x3FAC] =	sst s8  }
0x11: {  	[smem:$0x3FAD] =	sst s9;
	s0 =	simm.s32 @!p0 $0x0  }
0x12: {  	s1 =	sld [smem:$0x3F93];
	s0 =	simm.s32 @p0 $0x1  }
0x13: {  	[smem:$0x3FAE] =	sst s0;
	s0 =	simm.s32 @!p1 $0x0  }
0x14: {  	s2 =	sld [smem:$0x3F92];
	s0 =	simm.s32 @p1 $0x1  }
0x15: {  	[smem:$0x3FAF] =	sst s0;
	s0 =	simm.s32 @!p2 $0x0  }
0x16: {  	s3 =	sld [smem:$0x3FDB];
	s0 =	simm.s32 @p2 $0x1  }
0x17: {  	s4 =	simm.s32 $0x1BF5;
	[smem:$0x3FB1] =	sst s0  }
0x18: {  	s0 =	sld [smem:$0x3F94];
	_ =	swait.ge [sflag:s4], $0x0  }
0x19: {  	s7 =	sld [smem:$0x3F95]  }
0x1a: {  	s8 =	sadd.s32 $0xFFFFE003, lr  }
0x1b: {  	s9 =	sadd.s32 $0xFFFFFEF7, lr;
	s5 =	simm.s32 $0xFFFFFFFF;
	p2 =	slt.u32 s8, $0xFFFFF086  }
0x1c: {  	p1 =	slt.u32 s9, $0xF7A;
	s5 =	simm.s32 @!p2 $0x0  }
0x1d: {  	s5 =	simm.s32 @p1 $0x1;
	p0 =	seq.s32 s7, s2  }
0x1e: {  	s7 =	smul.u32 @!p0 $0xF7A, s2;
	p2 =	seq.s32 @!p0 s5, $0x0  }
0x1f: {  	s9 =	smul.u32 $0xF7A, s1;
	s8 =	simm.s32 @!p0 $0x1BF5;
	p2 =	por !p2, p0  }
0x20: {  	[sflag:s8] =	ssyncset.s32 @!p0 $0xFFFFF086;
	s6 =	sadd.s32 @!p0 s3, s7;
	s7 =	simm.s32 @!p0 $0x108  }
0x21: {  	s3 =	sadd.s32 s3, s9;
	s6 =	sadd.s32 @!p0 $0x88, s6;
	s7 =	simm.s32 @p2 $0x1082  }
0x22: {  	[simem:s7], [sflag:s8] =	dma.local @!p0 [hbm:s6], $0xF7A  }
0x23: {  	s9 =	sor.u32 $0xD0000000, s2;
	s6 =	simm.s32 $0x108;
	_ =	swait.ge @!p0 [sflag:s8], $0x0  }
0x24: {  	s3 =	sadd.s32 $0x88, s3;
	s6 =	simm.s32 @!p1 $0x1082;
	[sflag:s4] =	ssyncset.s32 $0xFFFFF086  }
0x25: {  	[simem:s6], [sflag:s4] =	dma.local [hbm:s3], $0xF7A  }
0x26: {  	[smem:$0x3F95] =	sst s1;
	(tag) =	ssettag s2;
	_ =	strace s9  }
0x27: {  	s1 =	sld [smem:$0x3FA5]  }
0x28: {  	s2 =	sld [smem:$0x3FA6]  }
0x29: {  	s4 =	sld [smem:$0x3FA8]  }
0x2a: {  	p0 =	seq.s32 s5, $0x0;
	s5 =	sld [smem:$0x3FA9]  }
0x2b: {  	s6 =	sld [smem:$0x3FAA]  }
0x2c: {  	s7 =	sld [smem:$0x3FAB]  }
0x2d: {  	s3 =	simm.s32 $0x108;
	s8 =	sld [smem:$0x3FAC]  }
0x2e: {  	s3 =	simm.s32 @!p0 $0x1082;
	s9 =	sld [smem:$0x3FAD]  }
0x2f: {  	lr =	sadd.s32 s0, s3;
	s0 =	sld [smem:$0x3FA4]  }
0x30: {  	s3 =	sld [smem:$0x3FA7]  }
0x31: {  	[smem:$0x3FB0] =	sst s10  }
0x32: {  	s10 =	sld [smem:$0x3FAE];
	_ =	sdelay $0x3  }
0x33: {  	p0 =	seq.s32 s10, $0x1;
	s10 =	sld [smem:$0x3FB0];
	_ =	sdelay $0x3  }
0x34: {  	[smem:$0x3FB0] =	sst s10  }
0x35: {  	s10 =	sld [smem:$0x3FAF];
	_ =	sdelay $0x3  }
0x36: {  	p1 =	seq.s32 s10, $0x1;
	s10 =	sld [smem:$0x3FB0];
	_ =	sdelay $0x3  }
0x37: {  	[smem:$0x3FB0] =	sst s10  }
0x38: {  	s10 =	sld [smem:$0x3FB1]  }
0x39: {  	_ = 	snop;
	(pc) =	sbr.ind lr, $3  }
0x3a: {  	_ = 	snop  }
0x3b: {  	_ = 	snop  }
0x3c: {  	p2 =	seq.s32 s10, $0x1;
	s10 =	sld [smem:$0x3FB0]  }
0x3d: {  	_ =	shalt  }
0x3e: {  	_ =	shalt  }
0x3f: {  	_ =	shalt  }
0x40: {  	_ =	shalt  }
0x41: {  	_ =	shalt  }
0x42: {  	_ =	shalt  }
0x43: {  	_ =	shalt  }
0x44: {  	_ =	shalt  }
0x45: {  	_ =	shalt  }
0x46: {  	_ =	shalt  }
0x47: {  	_ =	shalt  }
0x48: {  	_ =	shalt  }
0x49: {  	_ =	shalt  }
0x4a: {  	_ =	shalt  }
0x4b: {  	_ =	shalt  }
0x4c: {  	_ =	shalt  }
0x4d: {  	_ =	shalt  }
0x4e: {  	_ =	shalt  }
0x4f: {  	_ =	shalt  }
0x50: {  	_ =	shalt  }
0x51: {  	_ =	shalt  }
0x52: {  	_ =	shalt  }
0x53: {  	_ =	shalt  }
0x54: {  	_ =	shalt  }
0x55: {  	_ =	shalt  }
0x56: {  	_ =	shalt  }
0x57: {  	_ =	shalt  }
0x58: {  	_ =	shalt  }
0x59: {  	_ =	shalt  }
0x5a: {  	_ =	shalt  }
0x5b: {  	_ =	shalt  }
0x5c: {  	_ =	shalt  }
0x5d: {  	_ =	shalt  }
0x5e: {  	_ =	shalt  }
0x5f: {  	_ =	shalt  }
0x60: {  	_ =	shalt  }
0x61: {  	_ =	shalt  }
0x62: {  	_ =	shalt  }
0x63: {  	_ =	shalt  }
0x64: {  	_ =	shalt  }
0x65: {  	_ =	shalt  }
0x66: {  	_ =	shalt  }
0x67: {  	_ =	shalt  }
0x68: {  	_ =	shalt  }
0x69: {  	_ =	shalt  }
0x6a: {  	_ =	shalt  }
0x6b: {  	_ =	shalt  }
0x6c: {  	_ =	shalt  }
0x6d: {  	_ =	shalt  }
0x6e: {  	_ =	shalt  }
0x6f: {  	_ =	shalt  }
0x70: {  	_ =	shalt  }
0x71: {  	_ =	shalt  }
0x72: {  	_ =	shalt  }
0x73: {  	_ =	shalt  }
0x74: {  	_ =	shalt  }
0x75: {  	_ =	shalt  }
0x76: {  	_ =	shalt  }
0x77: {  	_ =	shalt  }
0x78: {  	_ =	shalt  }
0x79: {  	_ =	shalt  }
0x7a: {  	_ =	shalt  }
0x7b: {  	_ =	shalt  }
0x7c: {  	_ =	shalt  }
0x7d: {  	_ =	shalt  }
0x7e: {  	_ =	shalt  }
0x7f: {  	_ =	shalt  }
0x80: {  	_ =	shalt  }
0x81: {  	_ =	shalt  }
0x82: {  	_ =	shalt  }
0x83: {  	_ =	shalt  }
0x84: {  	_ =	shalt  }
0x85: {  	_ =	shalt  }
0x86: {  	_ =	shalt  }
0x87: {  	_ =	shalt  }
.Lfunc_end0:
.L_simem_size_0:
called_computation.1_lowered:
.L_overlay_start_0:
0x88: {  	s2 =	sld [smem:$0x3FD9]  }
0x89: {  	s3 =	sld [smem:$0x3FFE];
	_ =	sdelay $0x1  }
0x8a: {  	s1 =	srdreg.scid  }
0x8b: {  	s0 =	sand.u32 $0x1, s1  }
0x8c: {  	s14 =	sshll.u32 s0, $0xA;
	s2 =	sadd.s32 s3, s2  }
0x8d: {  	s2 =	sadd.s32 s2, s14  }
0x8e: {  	[smem:$0x3FBC] =	sst s2  }
0x8f: {  	_ = 	snop  }
0x90: {  	s2 =	sld [smem:$0x3FD0];
	_ =	sdelay $0x2  }
0x91: {  	s15 =	simm.s32 $0xA;
	s4 =	simm.s32 $0x10  }
0x92: {  	[smem:s4], [sflag:s15] =	dma.local [hbm:s2], $0x1  }
0x93: {  	_ =	swait.eq [sflag:s15], $0x1  }
0x94: {  	[sflag:s15] =	ssyncset.done $0x0  }
0x95: {  	[sflag:s15] =	ssyncadd.s32 $0xFFFFFFFF  }
0x96: {  	s16 =	sld [smem:$0x10];
	(tm) =	ssettm $0x1  }
0x97: {  	s17 =	sld [smem:$0x3FFB];
	_ =	sdelay $0x3  }
0x98: {  	_ =	strace s17  }
0x99: {  	s3 =	sld [smem:$0x3FFC];
	_ =	sdelay $0x3  }
0x9a: {  	_ =	strace s3  }
0x9b: {  	s3 =	sld [smem:$0x3FFD];
	_ =	sdelay $0x3  }
0x9c: {  	_ =	strace s3  }
0x9d: {  	_ =	strace $0x8FFFFFFF  }
0x9e: {  	s18 =	sld [smem:$0x3FDB];
	_ =	sdelay $0x1  }
0x9f: {  	s19 =	simm.s32 $_scs_section_size  }
0xa0: {  	s5 =	simm.s32 $_size__tile_overlayer_lowered;
	s6 =	simm.s32 $_tile_overlayer_lowered  }
0xa1: {  	s22 =	simm.s32 $0x1BFF;
	s21 =	sshll.u32 s6, $0x1;
	s3 =	sadd.s32 s19, s18  }
0xa2: {  	s7 =	simm.s32 $0x0;
	s20 =	sshll.u32 s5, $0x1;
	s5 =	sadd.s32 s21, s3  }
0xa3: {  	[timem:s7], [sflag:s22] =	dma.local [hbm:s5], s20  }
0xa4: {  	_ =	swait.ge [sflag:s22], s20  }
0xa5: {  	s4 =	ssub.s32 $0x0, s20;
	[sflag:s22] =	ssyncset.done $0x0  }
0xa6: {  	[sflag:s22] =	ssyncadd.s32 s4;
	_ =	sdelay $0x1  }
0xa7: {  	s23 =	simm.s32 $0x1B8B  }
0xa8: {  	_ =	swait.ge [sflag:s23], $0x1  }
0xa9: {  	[sflag:s23] =	ssyncset.done $0x0  }
0xaa: {  	s25 =	simm.s32 $0x1B8E;
	s24 =	sld [smem:$0x3FFE];
	[sflag:s23] =	ssyncadd.s32 $0xFFFFFFFF  }
0xab: {  	s26 =	simm.s32 $execute0_lowered;
	[smem:$0x3FD2] =	sst s25  }
0xac: {  	s5 =	sshll.u32 s26, $0x1;
	_ =	strace $0x80000049;
	[dreg:$0x1] =	wrdreg $0xFFFFFFFF  }
0xad: {  	s28 =	simm.s32 $_size_execute0_lowered;
	s3 =	sadd.s32 s3, s5;
	[dreg:$0x0] =	wrdreg $0x0  }
0xae: {  	s5 =	sshll.u32 s28, $0x1;
	[dreg:$0x2] =	wrdreg s3  }
0xaf: {  	[dreg:$0x3] =	wrdreg s5  }
0xb0: {  	[dreg:$0x4] =	wrdreg $0xC0  }
0xb1: {  	_ =	task [dreg:s7], $0x5FFFF  }
0xb2: {  	[dreg:$0x1] =	wrdreg $0xFFFFFFFF  }
0xb3: {  	[dreg:$0x0] =	wrdreg $0x60  }
0xb4: {  	[dreg:$0x2] =	wrdreg s16  }
0xb5: {  	[dreg:$0x3] =	wrdreg s24  }
0xb6: {  	[dreg:$0x4] =	wrdreg $0xA2000  }
0xb7: {  	[dreg:$0x5] =	wrdreg $0x9  }
0xb8: {  	_ =	task.clear_ibuf [dreg:s7], $0x6FFFF;
	_ =	strace $0x90000049  }
0xb9: {  	s29 =	simm.s32 $0x9;
	_ =	strace $0x8000004B  }
0xba: {  	_ =	swait.ge [sflag:s29], $0x1  }
0xbb: {  	[sflag:s29] =	ssyncadd.s32 $0xFFFFFFFF  }
0xbc: {  	_ =	strace $0x9000004B  }
0xbd: {  	_ =	sfence  }
0xbe: {  	s30 =	sld [smem:$0x0];
	_ =	sdelay $0x2  }
0xbf: {  	s31 =	sshll.u32 s1, $0xD;
	s1 =	sshrl.u32 s1, $0x2  }
0xc0: {  	s3 =	sand.u32 $0x4000, s31;
	s1 =	sadd.s32 s1, s30  }
0xc1: {  	s0 =	sor.u32 s3, s0;
	s1 =	sshll.u32 s1, $0x11  }
0xc2: {  	s0 =	sor.u32 s1, s0  }
0xc3: {  	s0 =	sadd.s32 $0x8F2B, s0  }
0xc4: {  	[sflag:s0] =	ssyncadd.remote.s32 $0x1  }
0xc5: {  	_ =	sfence.sel $0xFFFF  }
0xc6: {  	[dreg:$0x0] =	wrdreg $0xFFFFFFFF;
	(pc) =	sbr.abs _section_cstart, $3  }
0xc7: {  	[dreg:$0x1] =	wrdreg $0xFFFFFFFF  }
0xc8: {  	_ =	task.clear_ibuf [dreg:s7], $0x2FFFF;
	_ =	strace $0x9FFFFFFF  }
0xc9: {  	(tm) =	ssettm $0x7FFFFFFF  }
tec
execute0_lowered:
.L_overlay_start_1:
0x0: {  	(tag) =	ssettag $0x1  }
0x1: {  	s1 =	rddreg [dreg:$0x0]  }
0x2: {  	s0 =	rddreg [dreg:$0x1]  }
0x3: {  	s3 =	rddreg [dreg:$0x2];
	s2 =	srdreg.scid  }
0x4: {  	s12 =	stileid.u32;
	s4 =	simm.s32 $0x0;
	s19 =	simm.s32 $0x7  }
0x5: {  	s20 =	simm.s32 $0x100;
	s21 =	simm.s32 $0x50;
	s22 =	simm.s32 $0x200  }
0x6: {  	s23 =	simm.s32 $0x5200;
	s24 =	simm.s32 $0x2;
	s28 =	simm.s32 $0x3  }
0x7: {  	s29 =	simm.s32 $0x5;
	s30 =	simm.s32 $0x80;
	s31 =	simm.s32 $0x1  }
0x8: {  	s2 =	sand.u32 $0x1, s2;
	s5 =	sshll.u32 s12, $0x1;
	[smem:$0x7FF] =	sst s4  }
0x9: {  	s6 =	sadd.s32 $0x1EA00, s0;
	s10 =	smul.u32 $0x50000, s12;
	s8 =	sadd.s32 $0x400, s0  }
0xa: {  	s12 =	sshll.u32 s12, $0x6;
	s7 =	sor.u32 s2, s5;
	_ =	strace $0x8000004A  }
0xb: {  	s5 =	sadd.s32 $0x3DE00, s0;
	s2 =	ssub.s32 $0x2, s2;
	[dreg:$0x4] =	wrdreg s8  }
0xc: {  	s12 =	sor.u32 $0x1C07, s12;
	s9 =	smul.u32 $0x2800, s7;
	s11 =	sshrl.u32 s2, $0x1  }
0xd: {  	s8 =	smul.u32 $0x7D00, s7;
	s10 =	sshrl.u32 s10, $0x2;
	[dreg:$0x6] =	wrdreg s12  }
0xe: {  	s2 =	ssub.s32 s2, s11;
	s10 =	sadd.s32 s10, s3;
	s0 =	sadd.s32 s9, s0  }
0xf: {  	s9 =	smul.u32 $0x2710, s7;
	s25 =	sshrl.u32 s8, $0x3;
	s26 =	smax.u32 s2, $0x1  }
0x10: {  	s7 =	smul.u32 $0x27100, s7;
	s10 =	sshrl.u32 s10, $0x3;
	[dreg:$0xa] =	wrdreg s26  }
0x11: {  	s15 =	sadd.s32 $0x300, s8;
	s11 =	sadd.s32 s6, s25;
	[dreg:$0xb] =	wrdreg s10  }
0x12: {  	s2 =	simm.s32 $0x6;
	s0 =	sadd.s32 $0x51FE00, s0;
	[dreg:$0x5] =	wrdreg s11  }
0x13: {  	s25 =	simm.s32 $0x2A00;
	s11 =	sadd.s32 $0x20, s11;
	[dreg:$0x9] =	wrdreg s0  }
0x14: {  	s7 =	sadd.s32 s5, s7;
	s14 =	sadd.s32 $0x50, s9;
	[dreg:$0x7] =	wrdreg s11  }
0x15: {  	s0 =	simm.s32 $0x4;
	[dreg:$0x8] =	wrdreg s7;
	s11 =	simm.s32 $0x0  }
.LBB2_1:
0x16: {  	[dreg:$0xc] =	wrdreg s11  }
0x17: {  	s7 =	rddreg [dreg:$0x4]  }
0x18: {  	[spmem:s10], [sflag:s12] =	dma.local [hbm:s7], $0x2800  }
0x19: {  	_ =	swait.ge [sflag:s19], $0x2800  }
0x1a: {  	[sflag:s19] =	ssyncset.done $0x0  }
0x1b: {  	[sflag:s19] =	ssyncadd.s32 $0xFFFFD800  }
0x1c: {  	[bflag:$0x0] =	sbarrier.arrive $0xFFFF  }
0x1d: {  	s17 =	rddreg [dreg:$0x5]  }
0x1e: {  	[tilespmem:s4], [sflag:$0x7] =	stream.linear.gather [hbm4b:s17+s4], $0x100, $0x38;
	[tilespmem:$0x1E200] =	vst v63  }
0x1f: {  	_ =	swait.ge [sflag:s19], $0x100  }
0x20: {  	[sflag:s19] =	ssyncset.done $0x0  }
0x21: {  	s18 =	rddreg [dreg:$0x7];
	[sflag:s19] =	ssyncadd.s32 $0xFFFFFF00  }
0x22: {  	[tilespmem:s20], [sflag:$0x2] =	stream.linear.gather [hbm4b:s18+s4], $0x100, $0x38;
	[tilespmem:$0x1E200] =	vst v63  }
0x23: {  	_ = 	snop  }
0x24: {  	[tilespmem:s22], [sflag:$0x3] =	stream.indirect.gather [hbm4b:s1+s21], $0x80, s4, s21, $0xb8;
	[tilespmem:$0x1E200] =	vst v63  }
0x25: {  	s13 =	simm.s32 $0x0;
	s26 =	rddreg [dreg:$0x8]  }
0x26: {  	[tilespmem:s23], [sflag:$0x5] =	stream.linear.gather [hbm4b:s26+s4], $0x2800, $0x38;
	[tilespmem:$0x1E200] =	vst v63  }
.LBB2_2:
0x27: {  	_ =	swait.ge [sflag:s24], $0x100;
	s7 =	smul.u32 $0xA0, s13  }
0x28: {  	[sflag:s24] =	ssyncset.done $0x0  }
0x29: {  	[sflag:s24] =	ssyncadd.s32 $0xFFFFFF00;
	s7 =	sadd.s32 s7, s14  }
0x2a: {  	[tilespmem:s25], [sflag:$0x4] =	stream.indirect.gather [hbm4b:s1+s21], $0x80, s20, s21, $0xb8;
	[tilespmem:$0x1E200] =	vst v63  }
0x2b: {  	s7 =	sshll.u32 s7, $0x4  }
0x2c: {  	s10 =	simm.s32 $0x7A00;
	s7 =	sadd.s32 s5, s7  }
0x2d: {  	[tilespmem:s10], [sflag:$0x6] =	stream.linear.gather [hbm4b:s7+s4], $0x2800, $0x38;
	[tilespmem:$0x1E200] =	vst v63  }
0x2e: {  	_ =	swait.ge [sflag:s28], $0x2800  }
0x2f: {  	[sflag:s28] =	ssyncset.done $0x0  }
0x30: {  	[sflag:s28] =	ssyncadd.s32 $0xFFFFD800  }
0x31: {  	_ =	swait.ge [sflag:s29], $0x2800  }
0x32: {  	[sflag:s29] =	ssyncset.done $0x0  }
0x33: {  	s16 =	simm.s32 $0x280;
	[sflag:s29] =	ssyncadd.s32 $0xFFFFD800  }
0x34: {  	s12 =	simm.s32 $0x5280;
	v0 =	vld [tilespmem:s16+$0x0]  }
0x35: {  	v1 =	vld [tilespmem:s12+$0x0];
	_ =	sdelay $0x3  }
0x36: {  	v2 =	vld [tilespmem:s16+$0xFFFFFF80]  }
0x37: {  	v0 =	vmul.f32 v1, v0;
	v1 =	vld [tilespmem:s12+$0xFFFFFF80];
	_ =	sdelay $0x1  }
0x38: {  	[tilespmem:s16+$0x0] =	vst v0;
	v0 =	vld [tilespmem:s16+$0x10]  }
0x39: {  	v3 =	vld [tilespmem:s12+$0x10];
	_ =	sdelay $0x1  }
0x3a: {  	v1 =	vmul.f32 v1, v2;
	_ =	sdelay $0x1  }
0x3b: {  	v4 =	vld [tilespmem:s16+$0xFFFFFF90];
	[tilespmem:s16+$0xFFFFFF80] =	vst v1  }
0x3c: {  	v0 =	vmul.f32 v3, v0;
	v1 =	vld [tilespmem:s12+$0xFFFFFF90];
	_ =	sdelay $0x1  }
0x3d: {  	[tilespmem:s16+$0x10] =	vst v0;
	v0 =	vld [tilespmem:s16+$0x20]  }
0x3e: {  	v3 =	vld [tilespmem:s12+$0x20]  }
0x3f: {  	v5 =	vld [tilespmem:s16+$0xFFFFFFB0]  }
0x40: {  	s17 =	simm.s32 $0x380;
	v6 =	vld [tilespmem:s16+$0xFFFFFFD0];
	v1 =	vmul.f32 v1, v4  }
0x41: {  	v7 =	vld [tilespmem:s17+$0x0]  }
0x42: {  	v2 =	vld [tilespmem:s16+$0xFFFFFFA0];
	[tilespmem:s16+$0xFFFFFF90] =	vst v1  }
0x43: {  	v0 =	vmul.f32 v3, v0;
	v1 =	vld [tilespmem:s12+$0xFFFFFFA0]  }
0x44: {  	v8 =	vld [tilespmem:s16+$0xFFFFFFE0]  }
0x45: {  	[tilespmem:s16+$0x20] =	vst v0;
	v0 =	vld [tilespmem:s16+$0x30]  }
0x46: {  	s10 =	simm.s32 $0x5380;
	v3 =	vld [tilespmem:s12+$0x30]  }
0x47: {  	v10 =	vld [tilespmem:s10+$0xFFFFFF80]  }
0x48: {  	v1 =	vmul.f32 v1, v2;
	v2 =	vld [tilespmem:s10+$0x0]  }
0x49: {  	v12 =	vld [tilespmem:s17+$0xFFFFFF90]  }
0x4a: {  	s18 =	simm.s32 $0x5480;
	v13 =	vld [tilespmem:s17+$0xFFFFFFD0]  }
0x4b: {  	v15 =	vld [tilespmem:s18+$0xFFFFFF80];
	v0 =	vmul.f32 v3, v0  }
0x4c: {  	[tilespmem:s16+$0xFFFFFFA0] =	vst v1;
	v1 =	vld [tilespmem:s16+$0x40]  }
0x4d: {  	[tilespmem:s16+$0x30] =	vst v0;
	v2 =	vmul.f32 v2, v7;
	v7 =	vld [tilespmem:s17+$0xFFFFFF80]  }
0x4e: {  	s11 =	simm.s32 $0x480;
	v9 =	vld [tilespmem:s12+$0x40]  }
0x4f: {  	v16 =	vld [tilespmem:s11+$0xFFFFFF80]  }
0x50: {  	v3 =	vld [tilespmem:s12+$0xFFFFFFB0]  }
0x51: {  	v17 =	vld [tilespmem:s17+$0x50]  }
0x52: {  	[tilespmem:s17+$0x0] =	vst v2;
	v2 =	vld [tilespmem:s17+$0x10];
	v7 =	vmul.f32 v10, v7  }
0x53: {  	v11 =	vld [tilespmem:s10+$0x10];
	v1 =	vmul.f32 v9, v1  }
0x54: {  	v9 =	vld [tilespmem:s16+$0x50];
	[tilespmem:s17+$0xFFFFFF80] =	vst v7  }
0x55: {  	[tilespmem:s16+$0x40] =	vst v1;
	v1 =	vmul.f32 v3, v5;
	v5 =	vld [tilespmem:s10+$0xFFFFFF90]  }
0x56: {  	v3 =	vld [tilespmem:s12+$0x50]  }
0x57: {  	v60 =	vld [tilespmem:s11+$0xFFFFFFA0]  }
0x58: {  	v4 =	vld [tilespmem:s16+$0xFFFFFFC0];
	v2 =	vmul.f32 v11, v2;
	[tilespmem:s16+$0xFFFFFFB0] =	vst v1  }
0x59: {  	v1 =	vld [tilespmem:s12+$0xFFFFFFC0]  }
0x5a: {  	[tilespmem:s17+$0x10] =	vst v2;
	v2 =	vld [tilespmem:s17+$0x20]  }
0x5b: {  	v5 =	vmul.f32 v5, v12;
	v3 =	vmul.f32 v3, v9;
	v9 =	vld [tilespmem:s10+$0x20]  }
0x5c: {  	v18 =	vld [tilespmem:s17+$0x60];
	v15 =	vmul.f32 v15, v16  }
0x5d: {  	v10 =	vld [tilespmem:s17+$0xFFFFFFA0];
	[tilespmem:s17+$0xFFFFFF90] =	vst v5  }
0x5e: {  	[tilespmem:s11+$0xFFFFFF80] =	vst v15;
	v1 =	vmul.f32 v1, v4;
	v4 =	vld [tilespmem:s10+$0xFFFFFFA0]  }
0x5f: {  	v15 =	vld [tilespmem:s18+$0xFFFFFF90]  }
0x60: {  	v0 =	vld [tilespmem:s16+$0xFFFFFFF0];
	[tilespmem:s16+$0xFFFFFFC0] =	vst v1;
	v1 =	vmul.f32 v9, v2  }
0x61: {  	v7 =	vld [tilespmem:s17+$0xFFFFFFB0]  }
0x62: {  	v5 =	vld [tilespmem:s17+$0x30];
	[tilespmem:s17+$0x20] =	vst v1  }
0x63: {  	v4 =	vmul.f32 v4, v10;
	v10 =	vld [tilespmem:s10+$0x30]  }
0x64: {  	v2 =	vld [tilespmem:s12+$0xFFFFFFD0]  }
0x65: {  	v11 =	vld [tilespmem:s16+$0x60]  }
0x66: {  	v12 =	vld [tilespmem:s17+$0xFFFFFFC0];
	[tilespmem:s16+$0x50] =	vst v3  }
0x67: {  	v3 =	vld [tilespmem:s12+$0x60]  }
0x68: {  	[tilespmem:s17+$0xFFFFFFA0] =	vst v4;
	v4 =	vld [tilespmem:s11+$0x0];
	v5 =	vmul.f32 v10, v5  }
0x69: {  	v2 =	vmul.f32 v2, v6;
	v6 =	vld [tilespmem:s18+$0x0]  }
0x6a: {  	v10 =	vld [tilespmem:s17+$0x40];
	[tilespmem:s17+$0x30] =	vst v5  }
0x6b: {  	v5 =	vld [tilespmem:s10+$0x40]  }
0x6c: {  	v9 =	vld [tilespmem:s16+$0x70];
	v3 =	vmul.f32 v3, v11  }
0x6d: {  	v1 =	vld [tilespmem:s17+$0xFFFFFFE0]  }
0x6e: {  	[tilespmem:s16+$0x60] =	vst v3;
	v3 =	vld [tilespmem:s10+$0xFFFFFFB0];
	v4 =	vmul.f32 v6, v4  }
0x6f: {  	v6 =	vld [tilespmem:s11+$0xFFFFFF90]  }
0x70: {  	[tilespmem:s11+$0x0] =	vst v4;
	v4 =	vld [tilespmem:s11+$0x10];
	v5 =	vmul.f32 v5, v10  }
0x71: {  	v10 =	vld [tilespmem:s18+$0x10]  }
0x72: {  	v11 =	vld [tilespmem:s12+$0x70];
	[tilespmem:s17+$0x40] =	vst v5  }
0x73: {  	v3 =	vmul.f32 v3, v7;
	v7 =	vld [tilespmem:s10+$0x50]  }
0x74: {  	[tilespmem:s16+$0xFFFFFFD0] =	vst v2;
	v2 =	vld [tilespmem:s17+$0xFFFFFFF0]  }
0x75: {  	v14 =	vld [tilespmem:s12+$0xFFFFFFE0];
	[tilespmem:s17+$0xFFFFFFB0] =	vst v3;
	v6 =	vmul.f32 v15, v6  }
0x76: {  	v3 =	vmul.f32 v10, v4;
	v10 =	vld [tilespmem:s10+$0xFFFFFFC0]  }
0x77: {  	[tilespmem:s11+$0xFFFFFF90] =	vst v6;
	v6 =	vld [tilespmem:s11+$0xFFFFFFE0]  }
0x78: {  	v5 =	vld [tilespmem:s11+$0xFFFFFFB0];
	[tilespmem:s11+$0x10] =	vst v3;
	v3 =	vmul.f32 v7, v17  }
0x79: {  	v7 =	vld [tilespmem:s11+$0x20]  }
0x7a: {  	v15 =	vld [tilespmem:s18+$0x20];
	[tilespmem:s17+$0x50] =	vst v3  }
0x7b: {  	v10 =	vmul.f32 v10, v12;
	v12 =	vld [tilespmem:s10+$0x60]  }
0x7c: {  	v61 =	vld [tilespmem:s18+$0xFFFFFFA0]  }
0x7d: {  	v4 =	vld [tilespmem:s11+$0xFFFFFFC0];
	[tilespmem:s17+$0xFFFFFFC0] =	vst v10  }
0x7e: {  	v10 =	vld [tilespmem:s10+$0xFFFFFFD0]  }
0x7f: {  	v3 =	vld [tilespmem:s11+$0xFFFFFFD0];
	v7 =	vmul.f32 v15, v7  }
0x80: {  	v15 =	vld [tilespmem:s17+$0x70];
	v12 =	vmul.f32 v12, v18  }
0x81: {  	[tilespmem:s11+$0x20] =	vst v7;
	v7 =	vmul.f32 v14, v8;
	v14 =	vld [tilespmem:s11+$0x30]  }
0x82: {  	v8 =	vmul.f32 v61, v60;
	v62 =	vld [tilespmem:s18+$0x30];
	[tilespmem:s17+$0x60] =	vst v12  }
0x83: {  	[tilespmem:s16+$0xFFFFFFE0] =	vst v7;
	v7 =	vmul.f32 v10, v13;
	v63 =	vld [tilespmem:s10+$0x70]  }
0x84: {  	[tilespmem:s11+$0xFFFFFFA0] =	vst v8;
	v8 =	vld [tilespmem:s12+$0xFFFFFFF0]  }
0x85: {  	v12 =	vld [tilespmem:s18+$0xFFFFFFB0];
	[tilespmem:s17+$0xFFFFFFD0] =	vst v7  }
0x86: {  	v10 =	vmul.f32 v11, v9;
	v9 =	vld [tilespmem:s10+$0xFFFFFFE0]  }
0x87: {  	v7 =	vld [tilespmem:s11+$0xFFFFFFF0];
	v13 =	vmul.f32 v62, v14  }
0x88: {  	s26 =	simm.s32 $0x4;
	s7 =	simm.s32 $0x580;
	s12 =	simm.s32 $0x5480;
	[tilespmem:s16+$0x70] =	vst v10;
	v10 =	vld [tilespmem:s11+$0x40];
	v11 =	vmul.f32 v63, v15  }
.LBB2_3:
0x89: {  	v14 =	vld [tilespmem:s7+$0x0];
	[tilespmem:s11+$0x30] =	vst v13;
	s18 =	sadd.s32 $0x100, s18;
	v8 =	vmul.f32 v8, v0;
	v0 =	vmov v2  }
0x8a: {  	v13 =	vld [tilespmem:s18+$0x0];
	v12 =	vmul.f32 v12, v5;
	[tilespmem:s17+$0x70] =	vst v11  }
0x8b: {  	s26 =	sadd.s32 $0x2, s26;
	v5 =	vld [tilespmem:s12+$0x40];
	v9 =	vmul.f32 v9, v1;
	[tilespmem:s16+$0xFFFFFFF0] =	vst v8;
	v1 =	vmov v6;
	s16 =	smov.u32 s17;
	s17 =	smov.u32 s11  }
0x8c: {  	p0 =	slt.u32 s26, $0x4E;
	s11 =	smov.u32 s7;
	v6 =	vld [tilespmem:s18+$0xFFFFFF80];
	[tilespmem:s17+$0xFFFFFFB0] =	vst v12;
	v2 =	vmov v7  }
0x8d: {  	v7 =	vld [tilespmem:s7+$0xFFFFFF80];
	[tilespmem:s16+$0xFFFFFFE0] =	vst v9  }
0x8e: {  	v8 =	vld [tilespmem:s7+$0xFFFFFF90]  }
0x8f: {  	v9 =	vld [tilespmem:s7+$0xFFFFFFA0];
	v11 =	vmul.f32 v13, v14  }
0x90: {  	v5 =	vmul.f32 v5, v10;
	v10 =	vld [tilespmem:s17+$0x50]  }
0x91: {  	[tilespmem:s7+$0x0] =	vst v11;
	v11 =	vld [tilespmem:s7+$0x10]  }
0x92: {  	v6 =	vmul.f32 v6, v7;
	v7 =	vld [tilespmem:s18+$0x10];
	[tilespmem:s17+$0x40] =	vst v5  }
0x93: {  	v12 =	vld [tilespmem:s12+$0x50]  }
0x94: {  	[tilespmem:s7+$0xFFFFFF80] =	vst v6;
	v5 =	vld [tilespmem:s7+$0xFFFFFFB0]  }
0x95: {  	v6 =	vld [tilespmem:s18+$0xFFFFFF90]  }
0x96: {  	v13 =	vld [tilespmem:s12+$0xFFFFFFC0]  }
0x97: {  	v14 =	vld [tilespmem:s7+$0xFFFFFFC0];
	v7 =	vmul.f32 v7, v11  }
0x98: {  	v10 =	vmul.f32 v12, v10;
	v11 =	vld [tilespmem:s17+$0x60]  }
0x99: {  	[tilespmem:s7+$0x10] =	vst v7;
	v7 =	vld [tilespmem:s7+$0x20]  }
0x9a: {  	v6 =	vmul.f32 v6, v8;
	v8 =	vld [tilespmem:s18+$0x20];
	[tilespmem:s17+$0x50] =	vst v10  }
0x9b: {  	v10 =	vmul.f32 v13, v4;
	v12 =	vld [tilespmem:s12+$0x60]  }
0x9c: {  	[tilespmem:s7+$0xFFFFFF90] =	vst v6;
	v13 =	vld [tilespmem:s7+$0xFFFFFFD0];
	v4 =	vmov v14  }
0x9d: {  	v14 =	vld [tilespmem:s18+$0xFFFFFFA0];
	[tilespmem:s17+$0xFFFFFFC0] =	vst v10  }
0x9e: {  	v10 =	vld [tilespmem:s12+$0xFFFFFFD0]  }
0x9f: {  	v6 =	vld [tilespmem:s7+$0xFFFFFFE0];
	v7 =	vmul.f32 v8, v7  }
0xa0: {  	v8 =	vmul.f32 v12, v11;
	v11 =	vld [tilespmem:s17+$0x70]  }
0xa1: {  	[tilespmem:s7+$0x20] =	vst v7;
	v15 =	vld [tilespmem:s7+$0x30]  }
0xa2: {  	v7 =	vmul.f32 v14, v9;
	v14 =	vld [tilespmem:s18+$0x30];
	[tilespmem:s17+$0x60] =	vst v8  }
0xa3: {  	v9 =	vmul.f32 v10, v3;
	v16 =	vld [tilespmem:s12+$0x70];
	v3 =	vmov v13  }
.Ltmp0:
0xa4: {  	[tilespmem:s7+$0xFFFFFFA0] =	vst v7;
	v8 =	vld [tilespmem:s10+$0xFFFFFFF0];
	s10 =	smov.u32 s12;
	s12 =	smov.u32 s18;
	(pc) =	sbr.rel @p0 .LBB2_3-.Ltmp0, $4  }
0xa5: {  	v12 =	vld [tilespmem:s18+$0xFFFFFFB0];
	[tilespmem:s17+$0xFFFFFFD0] =	vst v9  }
0xa6: {  	v9 =	vld [tilespmem:s10+$0xFFFFFFE0]  }
0xa7: {  	v7 =	vld [tilespmem:s7+$0xFFFFFFF0];
	v13 =	vmul.f32 v14, v15  }
0xa8: {  	s7 =	sadd.s32 $0x100, s7;
	v10 =	vld [tilespmem:s11+$0x40];
	v11 =	vmul.f32 v16, v11  }
0xa9: {  	_ = 	snop  }
0xaa: {  	[tilespmem:s11+$0x30] =	vst v13;
	v5 =	vmul.f32 v12, v5  }
0xab: {  	v12 =	vld [tilespmem:s12+$0x40]  }
0xac: {  	[tilespmem:s11+$0xFFFFFFB0] =	vst v5  }
0xad: {  	v5 =	vld [tilespmem:s12+$0xFFFFFFC0];
	_ =	sdelay $0x2  }
0xae: {  	v10 =	vmul.f32 v12, v10;
	_ =	sdelay $0x1  }
0xaf: {  	v12 =	vld [tilespmem:s11+$0x50];
	[tilespmem:s11+$0x40] =	vst v10;
	v4 =	vmul.f32 v5, v4  }
0xb0: {  	v5 =	vld [tilespmem:s12+$0x50]  }
0xb1: {  	[tilespmem:s11+$0xFFFFFFC0] =	vst v4  }
0xb2: {  	v4 =	vld [tilespmem:s12+$0xFFFFFFD0];
	_ =	sdelay $0x2  }
0xb3: {  	v5 =	vmul.f32 v5, v12;
	_ =	sdelay $0x1  }
0xb4: {  	v10 =	vld [tilespmem:s11+$0x60];
	[tilespmem:s11+$0x50] =	vst v5;
	v3 =	vmul.f32 v4, v3  }
0xb5: {  	v4 =	vld [tilespmem:s12+$0x60]  }
0xb6: {  	[tilespmem:s11+$0xFFFFFFD0] =	vst v3  }
0xb7: {  	v3 =	vld [tilespmem:s12+$0xFFFFFFE0];
	_ =	sdelay $0x2  }
0xb8: {  	v4 =	vmul.f32 v4, v10  }
0xb9: {  	v1 =	vmul.f32 v9, v1  }
0xba: {  	v5 =	vld [tilespmem:s11+$0x70];
	[tilespmem:s11+$0x60] =	vst v4;
	v3 =	vmul.f32 v3, v6  }
0xbb: {  	[tilespmem:s17+$0xFFFFFFE0] =	vst v1;
	v1 =	vld [tilespmem:s12+$0x70]  }
0xbc: {  	v4 =	vld [tilespmem:s10+$0xFFFFFFF0];
	[tilespmem:s11+$0xFFFFFFE0] =	vst v3  }
0xbd: {  	v3 =	vld [tilespmem:s12+$0xFFFFFFF0];
	_ =	sdelay $0x1  }
0xbe: {  	v0 =	vmul.f32 v8, v0  }
0xbf: {  	[tilespmem:s17+$0x70] =	vst v11;
	v1 =	vmul.f32 v1, v5  }
0xc0: {  	[tilespmem:s16+$0xFFFFFFF0] =	vst v0;
	v0 =	vmul.f32 v4, v2  }
0xc1: {  	s7 =	sshll.u32 s13, $0x1;
	[tilespmem:s11+$0x70] =	vst v1;
	v1 =	vmul.f32 v3, v7  }
0xc2: {  	s7 =	sadd.s32 $0x2, s7;
	[tilespmem:s17+$0xFFFFFFF0] =	vst v0  }
0xc3: {  	s18 =	sshll.u32 s7, $0x8;
	[tilespmem:s11+$0xFFFFFFF0] =	vst v1  }
0xc4: {  	[spmem:s3] =	stream.indirect.scatter.add.f32 [tilespmem:s22], [sflag:$0x7], $0x80, s30, s21, $0xb8;
	[tilespmem:$0x1E200] =	vst v63  }
0xc5: {  	s10 =	sadd.s32 s8, s18;
	_ =	swait.ge [sflag:s19], $0x2800  }
0xc6: {  	s10 =	sshrl.u32 s10, $0x3;
	[sflag:s19] =	ssyncset.done $0x0  }
0xc7: {  	s7 =	smul.u32 $0x50, s7;
	s10 =	sadd.s32 s6, s10;
	[sflag:s19] =	ssyncadd.s32 $0xFFFFD800  }
0xc8: {  	[tilespmem:s4], [sflag:$0x1] =	stream.linear.gather [hbm4b:s10+s4], $0x100, $0x38;
	[tilespmem:$0x1E200] =	vst v63  }
0xc9: {  	_ =	swait.ge [sflag:s31], $0x100  }
0xca: {  	s7 =	sadd.s32 s9, s7;
	[sflag:s31] =	ssyncset.done $0x0  }
0xcb: {  	s7 =	sshll.u32 s7, $0x4;
	[sflag:s31] =	ssyncadd.s32 $0xFFFFFF00  }
0xcc: {  	[tilespmem:s22], [sflag:$0x3] =	stream.indirect.gather [hbm4b:s1+s21], $0x80, s4, s21, $0xb8;
	[tilespmem:$0x1E200] =	vst v63  }
0xcd: {  	s7 =	sadd.s32 s5, s7  }
0xce: {  	[tilespmem:s23], [sflag:$0x5] =	stream.linear.gather [hbm4b:s7+s4], $0x2800, $0x38;
	[tilespmem:$0x1E200] =	vst v63  }
0xcf: {  	_ =	swait.ge [sflag:s0], $0x2800  }
0xd0: {  	[sflag:s0] =	ssyncset.done $0x0  }
0xd1: {  	[sflag:s0] =	ssyncadd.s32 $0xFFFFD800  }
0xd2: {  	_ =	swait.ge [sflag:s2], $0x2800  }
0xd3: {  	[sflag:s2] =	ssyncset.done $0x0  }
0xd4: {  	s16 =	simm.s32 $0x2A80;
	[sflag:s2] =	ssyncadd.s32 $0xFFFFD800  }
0xd5: {  	s26 =	simm.s32 $0x7A80;
	v0 =	vld [tilespmem:s16+$0x0]  }
0xd6: {  	v1 =	vld [tilespmem:s26+$0x0];
	_ =	sdelay $0x3  }
0xd7: {  	v2 =	vld [tilespmem:s16+$0xFFFFFF80]  }
0xd8: {  	v0 =	vmul.f32 v1, v0;
	v1 =	vld [tilespmem:s26+$0xFFFFFF80];
	_ =	sdelay $0x1  }
0xd9: {  	[tilespmem:s16+$0x0] =	vst v0;
	v0 =	vld [tilespmem:s16+$0x10]  }
0xda: {  	v3 =	vld [tilespmem:s26+$0x10];
	_ =	sdelay $0x1  }
0xdb: {  	v1 =	vmul.f32 v1, v2;
	_ =	sdelay $0x1  }
0xdc: {  	v4 =	vld [tilespmem:s16+$0xFFFFFF90];
	[tilespmem:s16+$0xFFFFFF80] =	vst v1  }
0xdd: {  	v0 =	vmul.f32 v3, v0;
	v1 =	vld [tilespmem:s26+$0xFFFFFF90];
	_ =	sdelay $0x1  }
0xde: {  	[tilespmem:s16+$0x10] =	vst v0;
	v0 =	vld [tilespmem:s16+$0x20]  }
0xdf: {  	v3 =	vld [tilespmem:s26+$0x20]  }
0xe0: {  	v5 =	vld [tilespmem:s16+$0xFFFFFFB0]  }
0xe1: {  	s17 =	simm.s32 $0x2B80;
	v6 =	vld [tilespmem:s16+$0xFFFFFFD0];
	v1 =	vmul.f32 v1, v4  }
0xe2: {  	v7 =	vld [tilespmem:s17+$0x0]  }
0xe3: {  	v2 =	vld [tilespmem:s16+$0xFFFFFFA0];
	[tilespmem:s16+$0xFFFFFF90] =	vst v1  }
0xe4: {  	v0 =	vmul.f32 v3, v0;
	v1 =	vld [tilespmem:s26+$0xFFFFFFA0]  }
0xe5: {  	v8 =	vld [tilespmem:s16+$0xFFFFFFE0]  }
0xe6: {  	[tilespmem:s16+$0x20] =	vst v0;
	v0 =	vld [tilespmem:s16+$0x30]  }
0xe7: {  	s10 =	simm.s32 $0x7B80;
	v3 =	vld [tilespmem:s26+$0x30]  }
0xe8: {  	v10 =	vld [tilespmem:s10+$0xFFFFFF80]  }
0xe9: {  	v1 =	vmul.f32 v1, v2;
	v2 =	vld [tilespmem:s10+$0x0]  }
0xea: {  	v12 =	vld [tilespmem:s17+$0xFFFFFF90]  }
0xeb: {  	s18 =	simm.s32 $0x7C80;
	v13 =	vld [tilespmem:s17+$0xFFFFFFD0]  }
0xec: {  	v15 =	vld [tilespmem:s18+$0xFFFFFF80];
	v0 =	vmul.f32 v3, v0  }
0xed: {  	[tilespmem:s16+$0xFFFFFFA0] =	vst v1;
	v1 =	vld [tilespmem:s16+$0x40]  }
0xee: {  	[tilespmem:s16+$0x30] =	vst v0;
	v2 =	vmul.f32 v2, v7;
	v7 =	vld [tilespmem:s17+$0xFFFFFF80]  }
0xef: {  	s11 =	simm.s32 $0x2C80;
	v9 =	vld [tilespmem:s26+$0x40]  }
0xf0: {  	v16 =	vld [tilespmem:s11+$0xFFFFFF80]  }
0xf1: {  	v3 =	vld [tilespmem:s26+$0xFFFFFFB0]  }
0xf2: {  	v17 =	vld [tilespmem:s17+$0x50]  }
0xf3: {  	[tilespmem:s17+$0x0] =	vst v2;
	v2 =	vld [tilespmem:s17+$0x10];
	v7 =	vmul.f32 v10, v7  }
0xf4: {  	v11 =	vld [tilespmem:s10+$0x10];
	v1 =	vmul.f32 v9, v1  }
0xf5: {  	v9 =	vld [tilespmem:s16+$0x50];
	[tilespmem:s17+$0xFFFFFF80] =	vst v7  }
0xf6: {  	[tilespmem:s16+$0x40] =	vst v1;
	v1 =	vmul.f32 v3, v5;
	v5 =	vld [tilespmem:s10+$0xFFFFFF90]  }
0xf7: {  	v3 =	vld [tilespmem:s26+$0x50]  }
0xf8: {  	v60 =	vld [tilespmem:s11+$0xFFFFFFA0]  }
0xf9: {  	v4 =	vld [tilespmem:s16+$0xFFFFFFC0];
	v2 =	vmul.f32 v11, v2;
	[tilespmem:s16+$0xFFFFFFB0] =	vst v1  }
0xfa: {  	v1 =	vld [tilespmem:s26+$0xFFFFFFC0]  }
0xfb: {  	[tilespmem:s17+$0x10] =	vst v2;
	v2 =	vld [tilespmem:s17+$0x20]  }
0xfc: {  	v5 =	vmul.f32 v5, v12;
	v3 =	vmul.f32 v3, v9;
	v9 =	vld [tilespmem:s10+$0x20]  }
0xfd: {  	v18 =	vld [tilespmem:s17+$0x60];
	v15 =	vmul.f32 v15, v16  }
0xfe: {  	v10 =	vld [tilespmem:s17+$0xFFFFFFA0];
	[tilespmem:s17+$0xFFFFFF90] =	vst v5  }
0xff: {  	[tilespmem:s11+$0xFFFFFF80] =	vst v15;
	v1 =	vmul.f32 v1, v4;
	v4 =	vld [tilespmem:s10+$0xFFFFFFA0]  }
0x100: {  	v15 =	vld [tilespmem:s18+$0xFFFFFF90]  }
0x101: {  	v0 =	vld [tilespmem:s16+$0xFFFFFFF0];
	[tilespmem:s16+$0xFFFFFFC0] =	vst v1;
	v1 =	vmul.f32 v9, v2  }
0x102: {  	v7 =	vld [tilespmem:s17+$0xFFFFFFB0]  }
0x103: {  	v5 =	vld [tilespmem:s17+$0x30];
	[tilespmem:s17+$0x20] =	vst v1  }
0x104: {  	v4 =	vmul.f32 v4, v10;
	v10 =	vld [tilespmem:s10+$0x30]  }
0x105: {  	v2 =	vld [tilespmem:s26+$0xFFFFFFD0]  }
0x106: {  	v11 =	vld [tilespmem:s16+$0x60]  }
0x107: {  	v12 =	vld [tilespmem:s17+$0xFFFFFFC0];
	[tilespmem:s16+$0x50] =	vst v3  }
0x108: {  	v3 =	vld [tilespmem:s26+$0x60]  }
0x109: {  	[tilespmem:s17+$0xFFFFFFA0] =	vst v4;
	v4 =	vld [tilespmem:s11+$0x0];
	v5 =	vmul.f32 v10, v5  }
0x10a: {  	v2 =	vmul.f32 v2, v6;
	v6 =	vld [tilespmem:s18+$0x0]  }
0x10b: {  	v10 =	vld [tilespmem:s17+$0x40];
	[tilespmem:s17+$0x30] =	vst v5  }
0x10c: {  	v5 =	vld [tilespmem:s10+$0x40]  }
0x10d: {  	v9 =	vld [tilespmem:s16+$0x70];
	v3 =	vmul.f32 v3, v11  }
0x10e: {  	v1 =	vld [tilespmem:s17+$0xFFFFFFE0]  }
0x10f: {  	[tilespmem:s16+$0x60] =	vst v3;
	v3 =	vld [tilespmem:s10+$0xFFFFFFB0];
	v4 =	vmul.f32 v6, v4  }
0x110: {  	v6 =	vld [tilespmem:s11+$0xFFFFFF90]  }
0x111: {  	[tilespmem:s11+$0x0] =	vst v4;
	v4 =	vld [tilespmem:s11+$0x10];
	v5 =	vmul.f32 v5, v10  }
0x112: {  	v10 =	vld [tilespmem:s18+$0x10]  }
0x113: {  	v11 =	vld [tilespmem:s26+$0x70];
	[tilespmem:s17+$0x40] =	vst v5  }
0x114: {  	v3 =	vmul.f32 v3, v7;
	v7 =	vld [tilespmem:s10+$0x50]  }
0x115: {  	[tilespmem:s16+$0xFFFFFFD0] =	vst v2;
	v2 =	vld [tilespmem:s17+$0xFFFFFFF0]  }
0x116: {  	v14 =	vld [tilespmem:s26+$0xFFFFFFE0];
	[tilespmem:s17+$0xFFFFFFB0] =	vst v3;
	v6 =	vmul.f32 v15, v6  }
0x117: {  	v3 =	vmul.f32 v10, v4;
	v10 =	vld [tilespmem:s10+$0xFFFFFFC0]  }
0x118: {  	[tilespmem:s11+$0xFFFFFF90] =	vst v6;
	v6 =	vld [tilespmem:s11+$0xFFFFFFE0]  }
0x119: {  	v5 =	vld [tilespmem:s11+$0xFFFFFFB0];
	[tilespmem:s11+$0x10] =	vst v3;
	v3 =	vmul.f32 v7, v17  }
0x11a: {  	v7 =	vld [tilespmem:s11+$0x20]  }
0x11b: {  	v15 =	vld [tilespmem:s18+$0x20];
	[tilespmem:s17+$0x50] =	vst v3  }
0x11c: {  	v10 =	vmul.f32 v10, v12;
	v12 =	vld [tilespmem:s10+$0x60]  }
0x11d: {  	v61 =	vld [tilespmem:s18+$0xFFFFFFA0]  }
0x11e: {  	v4 =	vld [tilespmem:s11+$0xFFFFFFC0];
	[tilespmem:s17+$0xFFFFFFC0] =	vst v10  }
0x11f: {  	v10 =	vld [tilespmem:s10+$0xFFFFFFD0]  }
0x120: {  	v3 =	vld [tilespmem:s11+$0xFFFFFFD0];
	v7 =	vmul.f32 v15, v7  }
0x121: {  	v15 =	vld [tilespmem:s17+$0x70];
	v12 =	vmul.f32 v12, v18  }
0x122: {  	[tilespmem:s11+$0x20] =	vst v7;
	v7 =	vmul.f32 v14, v8;
	v14 =	vld [tilespmem:s11+$0x30]  }
0x123: {  	v8 =	vmul.f32 v61, v60;
	v62 =	vld [tilespmem:s18+$0x30];
	[tilespmem:s17+$0x60] =	vst v12  }
0x124: {  	[tilespmem:s16+$0xFFFFFFE0] =	vst v7;
	v7 =	vmul.f32 v10, v13;
	v63 =	vld [tilespmem:s10+$0x70]  }
0x125: {  	[tilespmem:s11+$0xFFFFFFA0] =	vst v8;
	v8 =	vld [tilespmem:s26+$0xFFFFFFF0]  }
0x126: {  	v12 =	vld [tilespmem:s18+$0xFFFFFFB0];
	[tilespmem:s17+$0xFFFFFFD0] =	vst v7  }
0x127: {  	v10 =	vmul.f32 v11, v9;
	v9 =	vld [tilespmem:s10+$0xFFFFFFE0]  }
0x128: {  	v7 =	vld [tilespmem:s11+$0xFFFFFFF0];
	v13 =	vmul.f32 v62, v14  }
0x129: {  	s12 =	simm.s32 $0x7C80;
	s7 =	simm.s32 $0x2D80;
	s26 =	simm.s32 $0x4;
	[tilespmem:s16+$0x70] =	vst v10;
	v10 =	vld [tilespmem:s11+$0x40];
	v11 =	vmul.f32 v63, v15  }
.LBB2_5:
0x12a: {  	v14 =	vld [tilespmem:s7+$0x0];
	[tilespmem:s11+$0x30] =	vst v13;
	s18 =	sadd.s32 $0x100, s18;
	v8 =	vmul.f32 v8, v0;
	v0 =	vmov v2  }
0x12b: {  	v13 =	vld [tilespmem:s18+$0x0];
	v12 =	vmul.f32 v12, v5;
	[tilespmem:s17+$0x70] =	vst v11  }
0x12c: {  	s26 =	sadd.s32 $0x2, s26;
	v5 =	vld [tilespmem:s12+$0x40];
	v9 =	vmul.f32 v9, v1;
	[tilespmem:s16+$0xFFFFFFF0] =	vst v8;
	v1 =	vmov v6;
	s16 =	smov.u32 s17;
	s17 =	smov.u32 s11  }
0x12d: {  	p0 =	slt.u32 s26, $0x4E;
	s11 =	smov.u32 s7;
	v6 =	vld [tilespmem:s18+$0xFFFFFF80];
	[tilespmem:s17+$0xFFFFFFB0] =	vst v12;
	v2 =	vmov v7  }
0x12e: {  	v7 =	vld [tilespmem:s7+$0xFFFFFF80];
	[tilespmem:s16+$0xFFFFFFE0] =	vst v9  }
0x12f: {  	v8 =	vld [tilespmem:s7+$0xFFFFFF90]  }
0x130: {  	v9 =	vld [tilespmem:s7+$0xFFFFFFA0];
	v11 =	vmul.f32 v13, v14  }
0x131: {  	v5 =	vmul.f32 v5, v10;
	v10 =	vld [tilespmem:s17+$0x50]  }
0x132: {  	[tilespmem:s7+$0x0] =	vst v11;
	v11 =	vld [tilespmem:s7+$0x10]  }
0x133: {  	v6 =	vmul.f32 v6, v7;
	v7 =	vld [tilespmem:s18+$0x10];
	[tilespmem:s17+$0x40] =	vst v5  }
0x134: {  	v12 =	vld [tilespmem:s12+$0x50]  }
0x135: {  	[tilespmem:s7+$0xFFFFFF80] =	vst v6;
	v5 =	vld [tilespmem:s7+$0xFFFFFFB0]  }
0x136: {  	v6 =	vld [tilespmem:s18+$0xFFFFFF90]  }
0x137: {  	v13 =	vld [tilespmem:s12+$0xFFFFFFC0]  }
0x138: {  	v14 =	vld [tilespmem:s7+$0xFFFFFFC0];
	v7 =	vmul.f32 v7, v11  }
0x139: {  	v10 =	vmul.f32 v12, v10;
	v11 =	vld [tilespmem:s17+$0x60]  }
0x13a: {  	[tilespmem:s7+$0x10] =	vst v7;
	v7 =	vld [tilespmem:s7+$0x20]  }
0x13b: {  	v6 =	vmul.f32 v6, v8;
	v8 =	vld [tilespmem:s18+$0x20];
	[tilespmem:s17+$0x50] =	vst v10  }
0x13c: {  	v10 =	vmul.f32 v13, v4;
	v12 =	vld [tilespmem:s12+$0x60]  }
0x13d: {  	[tilespmem:s7+$0xFFFFFF90] =	vst v6;
	v13 =	vld [tilespmem:s7+$0xFFFFFFD0];
	v4 =	vmov v14  }
0x13e: {  	v14 =	vld [tilespmem:s18+$0xFFFFFFA0];
	[tilespmem:s17+$0xFFFFFFC0] =	vst v10  }
0x13f: {  	v10 =	vld [tilespmem:s12+$0xFFFFFFD0]  }
0x140: {  	v6 =	vld [tilespmem:s7+$0xFFFFFFE0];
	v7 =	vmul.f32 v8, v7  }
0x141: {  	v8 =	vmul.f32 v12, v11;
	v11 =	vld [tilespmem:s17+$0x70]  }
0x142: {  	[tilespmem:s7+$0x20] =	vst v7;
	v15 =	vld [tilespmem:s7+$0x30]  }
0x143: {  	v7 =	vmul.f32 v14, v9;
	v14 =	vld [tilespmem:s18+$0x30];
	[tilespmem:s17+$0x60] =	vst v8  }
0x144: {  	v9 =	vmul.f32 v10, v3;
	v16 =	vld [tilespmem:s12+$0x70];
	v3 =	vmov v13  }
.Ltmp1:
0x145: {  	[tilespmem:s7+$0xFFFFFFA0] =	vst v7;
	v8 =	vld [tilespmem:s10+$0xFFFFFFF0];
	s10 =	smov.u32 s12;
	s12 =	smov.u32 s18;
	(pc) =	sbr.rel @p0 .LBB2_5-.Ltmp1, $4  }
0x146: {  	v12 =	vld [tilespmem:s18+$0xFFFFFFB0];
	[tilespmem:s17+$0xFFFFFFD0] =	vst v9  }
0x147: {  	v9 =	vld [tilespmem:s10+$0xFFFFFFE0]  }
0x148: {  	v7 =	vld [tilespmem:s7+$0xFFFFFFF0];
	v13 =	vmul.f32 v14, v15  }
0x149: {  	s7 =	sadd.s32 $0x100, s7;
	v10 =	vld [tilespmem:s11+$0x40];
	v11 =	vmul.f32 v16, v11  }
0x14a: {  	_ = 	snop  }
0x14b: {  	v5 =	vmul.f32 v12, v5  }
0x14c: {  	[tilespmem:s11+$0x30] =	vst v13  }
0x14d: {  	v54 =	vld [tilespmem:s12+$0x40];
	[tilespmem:s11+$0xFFFFFFB0] =	vst v5  }
0x14e: {  	v5 =	vld [tilespmem:s12+$0xFFFFFFC0];
	_ =	sdelay $0x3  }
0x14f: {  	v10 =	vmul.f32 v54, v10  }
0x150: {  	v4 =	vmul.f32 v5, v4  }
0x151: {  	v55 =	vld [tilespmem:s11+$0x50];
	[tilespmem:s11+$0x40] =	vst v10  }
0x152: {  	v56 =	vld [tilespmem:s12+$0x50];
	[tilespmem:s11+$0xFFFFFFC0] =	vst v4  }
0x153: {  	v4 =	vld [tilespmem:s12+$0xFFFFFFD0];
	_ =	sdelay $0x3  }
0x154: {  	v5 =	vmul.f32 v56, v55  }
0x155: {  	v3 =	vmul.f32 v4, v3  }
0x156: {  	v57 =	vld [tilespmem:s11+$0x60];
	[tilespmem:s11+$0x50] =	vst v5  }
0x157: {  	v58 =	vld [tilespmem:s12+$0x60];
	[tilespmem:s11+$0xFFFFFFD0] =	vst v3  }
0x158: {  	v3 =	vld [tilespmem:s12+$0xFFFFFFE0];
	_ =	sdelay $0x2  }
0x159: {  	v1 =	vmul.f32 v9, v1  }
0x15a: {  	v4 =	vmul.f32 v58, v57  }
0x15b: {  	v59 =	vld [tilespmem:s11+$0x70];
	[tilespmem:s17+$0xFFFFFFE0] =	vst v1;
	v3 =	vmul.f32 v3, v6  }
0x15c: {  	v61 =	vld [tilespmem:s10+$0xFFFFFFF0];
	[tilespmem:s11+$0x60] =	vst v4  }
0x15d: {  	v60 =	vld [tilespmem:s12+$0x70];
	[tilespmem:s11+$0xFFFFFFE0] =	vst v3  }
0x15e: {  	v3 =	vld [tilespmem:s12+$0xFFFFFFF0];
	_ =	sdelay $0x1  }
0x15f: {  	v0 =	vmul.f32 v8, v0  }
0x160: {  	[tilespmem:s17+$0x70] =	vst v11;
	v62 =	vmul.f32 v61, v2  }
0x161: {  	[tilespmem:s16+$0xFFFFFFF0] =	vst v0;
	v1 =	vmul.f32 v60, v59  }
0x162: {  	[tilespmem:s17+$0xFFFFFFF0] =	vst v62;
	v63 =	vmul.f32 v3, v7  }
0x163: {  	p0 =	seq.s32 s13, $0x3D;
	[tilespmem:s11+$0x70] =	vst v1  }
.Ltmp2:
0x164: {  	s7 =	simm.s32 $0x180;
	[tilespmem:s11+$0xFFFFFFF0] =	vst v63;
	(pc) =	sbr.rel @p0 .LBB2_8-.Ltmp2, $4  }
0x165: {  	[spmem:s3] =	stream.indirect.scatter.add.f32 [tilespmem:s25], [sflag:$0x7], $0x80, s7, s21, $0xb8;
	[tilespmem:$0x1E200] =	vst v63  }
0x166: {  	_ =	swait.ge [sflag:s19], $0x2800  }
0x167: {  	[sflag:s19] =	ssyncset.done $0x0  }
0x168: {  	[sflag:s19] =	ssyncadd.s32 $0xFFFFD800  }
.Ltmp3:
0x169: {  	s7 =	sshll.u32 s13, $0x9;
	(pc) =	sbr.rel .LBB2_2-.Ltmp3, $4  }
0x16a: {  	s7 =	sadd.s32 s7, s15  }
0x16b: {  	s7 =	sshrl.u32 s7, $0x3  }
0x16c: {  	s13 =	sadd.s32 $0x1, s13;
	s7 =	sadd.s32 s6, s7  }
0x16d: {  	[tilespmem:s20], [sflag:$0x2] =	stream.linear.gather [hbm4b:s7+s4], $0x100, $0x38;
	[tilespmem:$0x1E200] =	vst v63  }
.LBB2_8:
0x16e: {  	_ =	swait.ge [sflag:s28], $0x2800  }
0x16f: {  	[sflag:s28] =	ssyncset.done $0x0  }
0x170: {  	[sflag:s28] =	ssyncadd.s32 $0xFFFFD800  }
0x171: {  	_ =	swait.ge [sflag:s29], $0x2800  }
0x172: {  	[sflag:s29] =	ssyncset.done $0x0  }
0x173: {  	s13 =	simm.s32 $0x280;
	[sflag:s29] =	ssyncadd.s32 $0xFFFFD800  }
0x174: {  	s12 =	simm.s32 $0x5280;
	v0 =	vld [tilespmem:s13+$0x0]  }
0x175: {  	v1 =	vld [tilespmem:s12+$0x0];
	_ =	sdelay $0x3  }
0x176: {  	v2 =	vld [tilespmem:s13+$0xFFFFFF80]  }
0x177: {  	v0 =	vmul.f32 v1, v0;
	v1 =	vld [tilespmem:s12+$0xFFFFFF80];
	_ =	sdelay $0x1  }
0x178: {  	[tilespmem:s13+$0x0] =	vst v0;
	v0 =	vld [tilespmem:s13+$0x10]  }
0x179: {  	v3 =	vld [tilespmem:s12+$0x10];
	_ =	sdelay $0x1  }
0x17a: {  	v1 =	vmul.f32 v1, v2;
	_ =	sdelay $0x1  }
0x17b: {  	v4 =	vld [tilespmem:s13+$0xFFFFFF90];
	[tilespmem:s13+$0xFFFFFF80] =	vst v1  }
0x17c: {  	v0 =	vmul.f32 v3, v0;
	v1 =	vld [tilespmem:s12+$0xFFFFFF90];
	_ =	sdelay $0x1  }
0x17d: {  	[tilespmem:s13+$0x10] =	vst v0;
	v0 =	vld [tilespmem:s13+$0x20]  }
0x17e: {  	v3 =	vld [tilespmem:s12+$0x20]  }
0x17f: {  	v5 =	vld [tilespmem:s13+$0xFFFFFFB0]  }
0x180: {  	s16 =	simm.s32 $0x380;
	v6 =	vld [tilespmem:s13+$0xFFFFFFD0];
	v1 =	vmul.f32 v1, v4  }
0x181: {  	v7 =	vld [tilespmem:s16+$0x0]  }
0x182: {  	v2 =	vld [tilespmem:s13+$0xFFFFFFA0];
	[tilespmem:s13+$0xFFFFFF90] =	vst v1  }
0x183: {  	v0 =	vmul.f32 v3, v0;
	v1 =	vld [tilespmem:s12+$0xFFFFFFA0]  }
0x184: {  	v8 =	vld [tilespmem:s13+$0xFFFFFFE0]  }
0x185: {  	[tilespmem:s13+$0x20] =	vst v0;
	v0 =	vld [tilespmem:s13+$0x30]  }
0x186: {  	s10 =	simm.s32 $0x5380;
	v3 =	vld [tilespmem:s12+$0x30]  }
0x187: {  	v10 =	vld [tilespmem:s10+$0xFFFFFF80]  }
0x188: {  	v1 =	vmul.f32 v1, v2;
	v2 =	vld [tilespmem:s10+$0x0]  }
0x189: {  	v12 =	vld [tilespmem:s16+$0xFFFFFF90]  }
0x18a: {  	s17 =	simm.s32 $0x5480;
	v13 =	vld [tilespmem:s16+$0xFFFFFFD0]  }
0x18b: {  	v15 =	vld [tilespmem:s17+$0xFFFFFF80];
	v0 =	vmul.f32 v3, v0  }
0x18c: {  	[tilespmem:s13+$0xFFFFFFA0] =	vst v1;
	v1 =	vld [tilespmem:s13+$0x40]  }
0x18d: {  	[tilespmem:s13+$0x30] =	vst v0;
	v2 =	vmul.f32 v2, v7;
	v7 =	vld [tilespmem:s16+$0xFFFFFF80]  }
0x18e: {  	s11 =	simm.s32 $0x480;
	v9 =	vld [tilespmem:s12+$0x40]  }
0x18f: {  	v16 =	vld [tilespmem:s11+$0xFFFFFF80]  }
0x190: {  	v3 =	vld [tilespmem:s12+$0xFFFFFFB0]  }
0x191: {  	v17 =	vld [tilespmem:s16+$0x50]  }
0x192: {  	[tilespmem:s16+$0x0] =	vst v2;
	v2 =	vld [tilespmem:s16+$0x10];
	v7 =	vmul.f32 v10, v7  }
0x193: {  	v11 =	vld [tilespmem:s10+$0x10];
	v1 =	vmul.f32 v9, v1  }
0x194: {  	v9 =	vld [tilespmem:s13+$0x50];
	[tilespmem:s16+$0xFFFFFF80] =	vst v7  }
0x195: {  	[tilespmem:s13+$0x40] =	vst v1;
	v1 =	vmul.f32 v3, v5;
	v5 =	vld [tilespmem:s10+$0xFFFFFF90]  }
0x196: {  	v3 =	vld [tilespmem:s12+$0x50]  }
0x197: {  	v60 =	vld [tilespmem:s11+$0xFFFFFFA0]  }
0x198: {  	v4 =	vld [tilespmem:s13+$0xFFFFFFC0];
	v2 =	vmul.f32 v11, v2;
	[tilespmem:s13+$0xFFFFFFB0] =	vst v1  }
0x199: {  	v1 =	vld [tilespmem:s12+$0xFFFFFFC0]  }
0x19a: {  	[tilespmem:s16+$0x10] =	vst v2;
	v2 =	vld [tilespmem:s16+$0x20]  }
0x19b: {  	v5 =	vmul.f32 v5, v12;
	v3 =	vmul.f32 v3, v9;
	v9 =	vld [tilespmem:s10+$0x20]  }
0x19c: {  	v18 =	vld [tilespmem:s16+$0x60];
	v15 =	vmul.f32 v15, v16  }
0x19d: {  	v10 =	vld [tilespmem:s16+$0xFFFFFFA0];
	[tilespmem:s16+$0xFFFFFF90] =	vst v5  }
0x19e: {  	[tilespmem:s11+$0xFFFFFF80] =	vst v15;
	v1 =	vmul.f32 v1, v4;
	v4 =	vld [tilespmem:s10+$0xFFFFFFA0]  }
0x19f: {  	v15 =	vld [tilespmem:s17+$0xFFFFFF90]  }
0x1a0: {  	v0 =	vld [tilespmem:s13+$0xFFFFFFF0];
	[tilespmem:s13+$0xFFFFFFC0] =	vst v1;
	v1 =	vmul.f32 v9, v2  }
0x1a1: {  	v7 =	vld [tilespmem:s16+$0xFFFFFFB0]  }
0x1a2: {  	v5 =	vld [tilespmem:s16+$0x30];
	[tilespmem:s16+$0x20] =	vst v1  }
0x1a3: {  	v4 =	vmul.f32 v4, v10;
	v10 =	vld [tilespmem:s10+$0x30]  }
0x1a4: {  	v2 =	vld [tilespmem:s12+$0xFFFFFFD0]  }
0x1a5: {  	v11 =	vld [tilespmem:s13+$0x60]  }
0x1a6: {  	v12 =	vld [tilespmem:s16+$0xFFFFFFC0];
	[tilespmem:s13+$0x50] =	vst v3  }
0x1a7: {  	v3 =	vld [tilespmem:s12+$0x60]  }
0x1a8: {  	[tilespmem:s16+$0xFFFFFFA0] =	vst v4;
	v4 =	vld [tilespmem:s11+$0x0];
	v5 =	vmul.f32 v10, v5  }
0x1a9: {  	v2 =	vmul.f32 v2, v6;
	v6 =	vld [tilespmem:s17+$0x0]  }
0x1aa: {  	v10 =	vld [tilespmem:s16+$0x40];
	[tilespmem:s16+$0x30] =	vst v5  }
0x1ab: {  	v5 =	vld [tilespmem:s10+$0x40]  }
0x1ac: {  	v9 =	vld [tilespmem:s13+$0x70];
	v3 =	vmul.f32 v3, v11  }
0x1ad: {  	v1 =	vld [tilespmem:s16+$0xFFFFFFE0]  }
0x1ae: {  	[tilespmem:s13+$0x60] =	vst v3;
	v3 =	vld [tilespmem:s10+$0xFFFFFFB0];
	v4 =	vmul.f32 v6, v4  }
0x1af: {  	v6 =	vld [tilespmem:s11+$0xFFFFFF90]  }
0x1b0: {  	[tilespmem:s11+$0x0] =	vst v4;
	v4 =	vld [tilespmem:s11+$0x10];
	v5 =	vmul.f32 v5, v10  }
0x1b1: {  	v10 =	vld [tilespmem:s17+$0x10]  }
0x1b2: {  	v11 =	vld [tilespmem:s12+$0x70];
	[tilespmem:s16+$0x40] =	vst v5  }
0x1b3: {  	v3 =	vmul.f32 v3, v7;
	v7 =	vld [tilespmem:s10+$0x50]  }
0x1b4: {  	[tilespmem:s13+$0xFFFFFFD0] =	vst v2;
	v2 =	vld [tilespmem:s16+$0xFFFFFFF0]  }
0x1b5: {  	v14 =	vld [tilespmem:s12+$0xFFFFFFE0];
	[tilespmem:s16+$0xFFFFFFB0] =	vst v3;
	v6 =	vmul.f32 v15, v6  }
0x1b6: {  	v3 =	vmul.f32 v10, v4;
	v10 =	vld [tilespmem:s10+$0xFFFFFFC0]  }
0x1b7: {  	[tilespmem:s11+$0xFFFFFF90] =	vst v6;
	v6 =	vld [tilespmem:s11+$0xFFFFFFE0]  }
0x1b8: {  	v5 =	vld [tilespmem:s11+$0xFFFFFFB0];
	[tilespmem:s11+$0x10] =	vst v3;
	v3 =	vmul.f32 v7, v17  }
0x1b9: {  	v7 =	vld [tilespmem:s11+$0x20]  }
0x1ba: {  	v15 =	vld [tilespmem:s17+$0x20];
	[tilespmem:s16+$0x50] =	vst v3  }
0x1bb: {  	v10 =	vmul.f32 v10, v12;
	v12 =	vld [tilespmem:s10+$0x60]  }
0x1bc: {  	v61 =	vld [tilespmem:s17+$0xFFFFFFA0]  }
0x1bd: {  	v4 =	vld [tilespmem:s11+$0xFFFFFFC0];
	[tilespmem:s16+$0xFFFFFFC0] =	vst v10  }
0x1be: {  	v10 =	vld [tilespmem:s10+$0xFFFFFFD0]  }
0x1bf: {  	v3 =	vld [tilespmem:s11+$0xFFFFFFD0];
	v7 =	vmul.f32 v15, v7  }
0x1c0: {  	v15 =	vld [tilespmem:s16+$0x70];
	v12 =	vmul.f32 v12, v18  }
0x1c1: {  	[tilespmem:s11+$0x20] =	vst v7;
	v7 =	vmul.f32 v14, v8;
	v14 =	vld [tilespmem:s11+$0x30]  }
0x1c2: {  	v8 =	vmul.f32 v61, v60;
	v62 =	vld [tilespmem:s17+$0x30];
	[tilespmem:s16+$0x60] =	vst v12  }
0x1c3: {  	[tilespmem:s13+$0xFFFFFFE0] =	vst v7;
	v7 =	vmul.f32 v10, v13;
	v63 =	vld [tilespmem:s10+$0x70]  }
0x1c4: {  	[tilespmem:s11+$0xFFFFFFA0] =	vst v8;
	v8 =	vld [tilespmem:s12+$0xFFFFFFF0]  }
0x1c5: {  	v12 =	vld [tilespmem:s17+$0xFFFFFFB0];
	[tilespmem:s16+$0xFFFFFFD0] =	vst v7  }
0x1c6: {  	v10 =	vmul.f32 v11, v9;
	v9 =	vld [tilespmem:s10+$0xFFFFFFE0]  }
0x1c7: {  	v7 =	vld [tilespmem:s11+$0xFFFFFFF0];
	v13 =	vmul.f32 v62, v14  }
0x1c8: {  	s18 =	simm.s32 $0x4;
	s7 =	simm.s32 $0x580;
	s12 =	simm.s32 $0x5480;
	[tilespmem:s13+$0x70] =	vst v10;
	v10 =	vld [tilespmem:s11+$0x40];
	v11 =	vmul.f32 v63, v15  }
.LBB2_9:
0x1c9: {  	v14 =	vld [tilespmem:s7+$0x0];
	[tilespmem:s11+$0x30] =	vst v13;
	s17 =	sadd.s32 $0x100, s17;
	v8 =	vmul.f32 v8, v0;
	v0 =	vmov v2  }
0x1ca: {  	v13 =	vld [tilespmem:s17+$0x0];
	v12 =	vmul.f32 v12, v5;
	[tilespmem:s16+$0x70] =	vst v11  }
0x1cb: {  	s18 =	sadd.s32 $0x2, s18;
	v5 =	vld [tilespmem:s12+$0x40];
	v9 =	vmul.f32 v9, v1;
	[tilespmem:s13+$0xFFFFFFF0] =	vst v8;
	v1 =	vmov v6;
	s13 =	smov.u32 s16;
	s16 =	smov.u32 s11  }
0x1cc: {  	p0 =	slt.u32 s18, $0x4E;
	s11 =	smov.u32 s7;
	v6 =	vld [tilespmem:s17+$0xFFFFFF80];
	[tilespmem:s16+$0xFFFFFFB0] =	vst v12;
	v2 =	vmov v7  }
0x1cd: {  	v7 =	vld [tilespmem:s7+$0xFFFFFF80];
	[tilespmem:s13+$0xFFFFFFE0] =	vst v9  }
0x1ce: {  	v8 =	vld [tilespmem:s7+$0xFFFFFF90]  }
0x1cf: {  	v9 =	vld [tilespmem:s7+$0xFFFFFFA0];
	v11 =	vmul.f32 v13, v14  }
0x1d0: {  	v5 =	vmul.f32 v5, v10;
	v10 =	vld [tilespmem:s16+$0x50]  }
0x1d1: {  	[tilespmem:s7+$0x0] =	vst v11;
	v11 =	vld [tilespmem:s7+$0x10]  }
0x1d2: {  	v6 =	vmul.f32 v6, v7;
	v7 =	vld [tilespmem:s17+$0x10];
	[tilespmem:s16+$0x40] =	vst v5  }
0x1d3: {  	v12 =	vld [tilespmem:s12+$0x50]  }
0x1d4: {  	[tilespmem:s7+$0xFFFFFF80] =	vst v6;
	v5 =	vld [tilespmem:s7+$0xFFFFFFB0]  }
0x1d5: {  	v6 =	vld [tilespmem:s17+$0xFFFFFF90]  }
0x1d6: {  	v13 =	vld [tilespmem:s12+$0xFFFFFFC0]  }
0x1d7: {  	v14 =	vld [tilespmem:s7+$0xFFFFFFC0];
	v7 =	vmul.f32 v7, v11  }
0x1d8: {  	v10 =	vmul.f32 v12, v10;
	v11 =	vld [tilespmem:s16+$0x60]  }
0x1d9: {  	[tilespmem:s7+$0x10] =	vst v7;
	v7 =	vld [tilespmem:s7+$0x20]  }
0x1da: {  	v6 =	vmul.f32 v6, v8;
	v8 =	vld [tilespmem:s17+$0x20];
	[tilespmem:s16+$0x50] =	vst v10  }
0x1db: {  	v10 =	vmul.f32 v13, v4;
	v12 =	vld [tilespmem:s12+$0x60]  }
0x1dc: {  	[tilespmem:s7+$0xFFFFFF90] =	vst v6;
	v13 =	vld [tilespmem:s7+$0xFFFFFFD0];
	v4 =	vmov v14  }
0x1dd: {  	v14 =	vld [tilespmem:s17+$0xFFFFFFA0];
	[tilespmem:s16+$0xFFFFFFC0] =	vst v10  }
0x1de: {  	v10 =	vld [tilespmem:s12+$0xFFFFFFD0]  }
0x1df: {  	v6 =	vld [tilespmem:s7+$0xFFFFFFE0];
	v7 =	vmul.f32 v8, v7  }
0x1e0: {  	v8 =	vmul.f32 v12, v11;
	v11 =	vld [tilespmem:s16+$0x70]  }
0x1e1: {  	[tilespmem:s7+$0x20] =	vst v7;
	v15 =	vld [tilespmem:s7+$0x30]  }
0x1e2: {  	v7 =	vmul.f32 v14, v9;
	v14 =	vld [tilespmem:s17+$0x30];
	[tilespmem:s16+$0x60] =	vst v8  }
0x1e3: {  	v9 =	vmul.f32 v10, v3;
	v16 =	vld [tilespmem:s12+$0x70];
	v3 =	vmov v13  }
.Ltmp4:
0x1e4: {  	[tilespmem:s7+$0xFFFFFFA0] =	vst v7;
	v8 =	vld [tilespmem:s10+$0xFFFFFFF0];
	s10 =	smov.u32 s12;
	s12 =	smov.u32 s17;
	(pc) =	sbr.rel @p0 .LBB2_9-.Ltmp4, $4  }
0x1e5: {  	v12 =	vld [tilespmem:s17+$0xFFFFFFB0];
	[tilespmem:s16+$0xFFFFFFD0] =	vst v9  }
0x1e6: {  	v9 =	vld [tilespmem:s10+$0xFFFFFFE0]  }
0x1e7: {  	v7 =	vld [tilespmem:s7+$0xFFFFFFF0];
	v13 =	vmul.f32 v14, v15  }
0x1e8: {  	s7 =	sadd.s32 $0x100, s7;
	v10 =	vld [tilespmem:s11+$0x40];
	v11 =	vmul.f32 v16, v11  }
0x1e9: {  	_ = 	snop  }
0x1ea: {  	v5 =	vmul.f32 v12, v5  }
0x1eb: {  	[tilespmem:s11+$0x30] =	vst v13  }
0x1ec: {  	v54 =	vld [tilespmem:s12+$0x40];
	[tilespmem:s11+$0xFFFFFFB0] =	vst v5  }
0x1ed: {  	v5 =	vld [tilespmem:s12+$0xFFFFFFC0];
	_ =	sdelay $0x3  }
0x1ee: {  	v10 =	vmul.f32 v54, v10  }
0x1ef: {  	v4 =	vmul.f32 v5, v4  }
0x1f0: {  	v55 =	vld [tilespmem:s11+$0x50];
	[tilespmem:s11+$0x40] =	vst v10  }
0x1f1: {  	v56 =	vld [tilespmem:s12+$0x50];
	[tilespmem:s11+$0xFFFFFFC0] =	vst v4  }
0x1f2: {  	v4 =	vld [tilespmem:s12+$0xFFFFFFD0];
	_ =	sdelay $0x3  }
0x1f3: {  	v5 =	vmul.f32 v56, v55  }
0x1f4: {  	v3 =	vmul.f32 v4, v3  }
0x1f5: {  	v57 =	vld [tilespmem:s11+$0x60];
	[tilespmem:s11+$0x50] =	vst v5  }
0x1f6: {  	v58 =	vld [tilespmem:s12+$0x60];
	[tilespmem:s11+$0xFFFFFFD0] =	vst v3  }
0x1f7: {  	v3 =	vld [tilespmem:s12+$0xFFFFFFE0];
	_ =	sdelay $0x2  }
0x1f8: {  	v1 =	vmul.f32 v9, v1  }
0x1f9: {  	v4 =	vmul.f32 v58, v57  }
0x1fa: {  	v59 =	vld [tilespmem:s11+$0x70];
	[tilespmem:s16+$0xFFFFFFE0] =	vst v1;
	v3 =	vmul.f32 v3, v6  }
0x1fb: {  	v61 =	vld [tilespmem:s10+$0xFFFFFFF0];
	[tilespmem:s11+$0x60] =	vst v4  }
0x1fc: {  	v60 =	vld [tilespmem:s12+$0x70];
	[tilespmem:s11+$0xFFFFFFE0] =	vst v3  }
0x1fd: {  	v3 =	vld [tilespmem:s12+$0xFFFFFFF0];
	_ =	sdelay $0x1  }
0x1fe: {  	v0 =	vmul.f32 v8, v0  }
0x1ff: {  	[tilespmem:s16+$0x70] =	vst v11;
	v62 =	vmul.f32 v61, v2  }
0x200: {  	[tilespmem:s13+$0xFFFFFFF0] =	vst v0;
	v1 =	vmul.f32 v60, v59  }
0x201: {  	[tilespmem:s16+$0xFFFFFFF0] =	vst v62;
	v63 =	vmul.f32 v3, v7  }
0x202: {  	[tilespmem:s11+$0x70] =	vst v1  }
0x203: {  	[tilespmem:s11+$0xFFFFFFF0] =	vst v63  }
0x204: {  	[spmem:s3] =	stream.indirect.scatter.add.f32 [tilespmem:s22], [sflag:$0x7], $0x80, s30, s21, $0xb8;
	[tilespmem:$0x1E200] =	vst v63  }
0x205: {  	_ =	swait.ge [sflag:s19], $0x2800  }
0x206: {  	[sflag:s19] =	ssyncset.done $0x0  }
0x207: {  	[sflag:s19] =	ssyncadd.s32 $0xFFFFD800  }
0x208: {  	[bflag:$0x0] =	sbarrier.arrive $0xFFFF  }
0x209: {  	s12 =	rddreg [dreg:$0x6]  }
0x20a: {  	s7 =	rddreg [dreg:$0x9]  }
0x20b: {  	s10 =	rddreg [dreg:$0xb]  }
0x20c: {  	[hbm:s7], [sflag:s12] =	dma.local [spmem:s10], $0x2800  }
0x20d: {  	_ =	swait.ge [sflag:s19], $0x2800  }
0x20e: {  	s18 =	rddreg [dreg:$0xc]  }
0x20f: {  	s26 =	rddreg [dreg:$0xa];
	s11 =	sadd.s32 $0x1, s18  }
0x210: {  	p0 =	sne.s32 s11, s26  }
.Ltmp5:
0x211: {  	_ = 	snop;
	(pc) =	sbr.rel @p0 .LBB2_1-.Ltmp5, $3  }
0x212: {  	_ =	sdelay $0x1  }
0x213: {  	[sflag:s19] =	ssyncset.done $0x0  }
0x214: {  	[sflag:s19] =	ssyncadd.s32 $0xFFFFD800  }
0x215: {  	_ =	sfence.sel $0x180000  }
0x216: {  	[bflag:$0x0] =	sbarrier.arrive $0xFFFF  }
0x217: {  	_ =	strace $0x9000004A  }
0x218: {  	s0 =	stileid.u32;
	[bflag:$0x2] =	sbarrier.arrive $0xFFFF  }
0x219: {  	p0 =	sne.s32 s0, $0x0;
	s0 =	rddreg [dreg:$0x3]  }
0x21a: {  	s0 =	sadd.s32 @!p0 $0x100000, s0  }
0x21b: {  	[sflag:s0] =	ssyncadd.tile.s32 @!p0 $0x1;
	_ =	shalt  }
.Lfunc_end2:
_tile_overlayer_lowered:
.L_overlay_start_2:
0x21c: {  	(tag) =	ssettag $0x2  }
0x21d: {  	s0 =	rddreg [dreg:$0x0];
	s2 =	stileid.u32  }
0x21e: {  	s1 =	rddreg [dreg:$0x1];
	p0 =	sne.s32 s2, $0x0  }
0x21f: {  	s3 =	rddreg [dreg:$0x2];
	[bflag:$0x3] =	sbarrier.arrive $0xFFFF;
	s2 =	simm.s32 @!p0 $0x1C07  }
0x220: {  	[timem:s3], [sflag:s2] =	dma.local @!p0 [hbm:s0], s1  }
0x221: {  	s0 =	simm.s32 @!p0 $0x7  }
0x222: {  	_ =	swait.ge @!p0 [sflag:s0], s1  }
0x223: {  	s1 =	ssub.s32 @!p0 $0x0, s1;
	[sflag:s0] =	ssyncset.done @!p0 $0x0  }
0x224: {  	[sflag:s0] =	ssyncadd.s32 @!p0 s1  }
0x225: {  	[bflag:$0x3] =	sbarrier.arrive $0xFFFF  }
0x226: {  	_ =	shalt  }

// kernel: kernel.8.cloned.1.call-start
scs
__scs_entry_jumppad:
0x0: {  	(pc) =	sbr.rel $0x88, $3  }
0x1: {  	(tag) =	ssettag $0x0;
	lr =	simm.s32 $0x1  }
0x2: {  	[smem:$0x3F95] =	sst lr;
	_ =	strace $0xD0000000  }
0x3: {  	_ = 	snop  }
0x4: {  	_ = 	snop  }
0x5: {  	_ = 	snop  }
0x6: {  	_ = 	snop  }
0x7: {  	_ = 	snop  }
__scs_overlays_trampoline_lowered:
0x8: {  	[smem:$0x3FA4] =	sst s0  }
0x9: {  	[smem:$0x3FA5] =	sst s1  }
0xa: {  	[smem:$0x3FA6] =	sst s2  }
0xb: {  	[smem:$0x3FA7] =	sst s3  }
0xc: {  	[smem:$0x3FA8] =	sst s4  }
0xd: {  	[smem:$0x3FA9] =	sst s5  }
0xe: {  	[smem:$0x3FAA] =	sst s6  }
0xf: {  	[smem:$0x3FAB] =	sst s7  }
0x10: {  	[smem:$0x3FAC] =	sst s8  }
0x11: {  	[smem:$0x3FAD] =	sst s9;
	s0 =	simm.s32 @!p0 $0x0  }
0x12: {  	s1 =	sld [smem:$0x3F93];
	s0 =	simm.s32 @p0 $0x1  }
0x13: {  	[smem:$0x3FAE] =	sst s0;
	s0 =	simm.s32 @!p1 $0x0  }
0x14: {  	s2 =	sld [smem:$0x3F92];
	s0 =	simm.s32 @p1 $0x1  }
0x15: {  	[smem:$0x3FAF] =	sst s0;
	s0 =	simm.s32 @!p2 $0x0  }
0x16: {  	s3 =	sld [smem:$0x3FDB];
	s0 =	simm.s32 @p2 $0x1  }
0x17: {  	s4 =	simm.s32 $0x1BF5;
	[smem:$0x3FB1] =	sst s0  }
0x18: {  	s0 =	sld [smem:$0x3F94];
	_ =	swait.ge [sflag:s4], $0x0  }
0x19: {  	s7 =	sld [smem:$0x3F95]  }
0x1a: {  	s8 =	sadd.s32 $0xFFFFE003, lr  }
0x1b: {  	s9 =	sadd.s32 $0xFFFFFEF7, lr;
	s5 =	simm.s32 $0xFFFFFFFF;
	p2 =	slt.u32 s8, $0xFFFFF086  }
0x1c: {  	p1 =	slt.u32 s9, $0xF7A;
	s5 =	simm.s32 @!p2 $0x0  }
0x1d: {  	s5 =	simm.s32 @p1 $0x1;
	p0 =	seq.s32 s7, s2  }
0x1e: {  	s7 =	smul.u32 @!p0 $0xF7A, s2;
	p2 =	seq.s32 @!p0 s5, $0x0  }
0x1f: {  	s9 =	smul.u32 $0xF7A, s1;
	s8 =	simm.s32 @!p0 $0x1BF5;
	p2 =	por !p2, p0  }
0x20: {  	[sflag:s8] =	ssyncset.s32 @!p0 $0xFFFFF086;
	s6 =	sadd.s32 @!p0 s3, s7;
	s7 =	simm.s32 @!p0 $0x108  }
0x21: {  	s3 =	sadd.s32 s3, s9;
	s6 =	sadd.s32 @!p0 $0x88, s6;
	s7 =	simm.s32 @p2 $0x1082  }
0x22: {  	[simem:s7], [sflag:s8] =	dma.local @!p0 [hbm:s6], $0xF7A  }
0x23: {  	s9 =	sor.u32 $0xD0000000, s2;
	s6 =	simm.s32 $0x108;
	_ =	swait.ge @!p0 [sflag:s8], $0x0  }
0x24: {  	s3 =	sadd.s32 $0x88, s3;
	s6 =	simm.s32 @!p1 $0x1082;
	[sflag:s4] =	ssyncset.s32 $0xFFFFF086  }
0x25: {  	[simem:s6], [sflag:s4] =	dma.local [hbm:s3], $0xF7A  }
0x26: {  	[smem:$0x3F95] =	sst s1;
	(tag) =	ssettag s2;
	_ =	strace s9  }
0x27: {  	s1 =	sld [smem:$0x3FA5]  }
0x28: {  	s2 =	sld [smem:$0x3FA6]  }
0x29: {  	s4 =	sld [smem:$0x3FA8]  }
0x2a: {  	p0 =	seq.s32 s5, $0x0;
	s5 =	sld [smem:$0x3FA9]  }
0x2b: {  	s6 =	sld [smem:$0x3FAA]  }
0x2c: {  	s7 =	sld [smem:$0x3FAB]  }
0x2d: {  	s3 =	simm.s32 $0x108;
	s8 =	sld [smem:$0x3FAC]  }
0x2e: {  	s3 =	simm.s32 @!p0 $0x1082;
	s9 =	sld [smem:$0x3FAD]  }
0x2f: {  	lr =	sadd.s32 s0, s3;
	s0 =	sld [smem:$0x3FA4]  }
0x30: {  	s3 =	sld [smem:$0x3FA7]  }
0x31: {  	[smem:$0x3FB0] =	sst s10  }
0x32: {  	s10 =	sld [smem:$0x3FAE];
	_ =	sdelay $0x3  }
0x33: {  	p0 =	seq.s32 s10, $0x1;
	s10 =	sld [smem:$0x3FB0];
	_ =	sdelay $0x3  }
0x34: {  	[smem:$0x3FB0] =	sst s10  }
0x35: {  	s10 =	sld [smem:$0x3FAF];
	_ =	sdelay $0x3  }
0x36: {  	p1 =	seq.s32 s10, $0x1;
	s10 =	sld [smem:$0x3FB0];
	_ =	sdelay $0x3  }
0x37: {  	[smem:$0x3FB0] =	sst s10  }
0x38: {  	s10 =	sld [smem:$0x3FB1]  }
0x39: {  	_ = 	snop;
	(pc) =	sbr.ind lr, $3  }
0x3a: {  	_ = 	snop  }
0x3b: {  	_ = 	snop  }
0x3c: {  	p2 =	seq.s32 s10, $0x1;
	s10 =	sld [smem:$0x3FB0]  }
0x3d: {  	_ =	shalt  }
0x3e: {  	_ =	shalt  }
0x3f: {  	_ =	shalt  }
0x40: {  	_ =	shalt  }
0x41: {  	_ =	shalt  }
0x42: {  	_ =	shalt  }
0x43: {  	_ =	shalt  }
0x44: {  	_ =	shalt  }
0x45: {  	_ =	shalt  }
0x46: {  	_ =	shalt  }
0x47: {  	_ =	shalt  }
0x48: {  	_ =	shalt  }
0x49: {  	_ =	shalt  }
0x4a: {  	_ =	shalt  }
0x4b: {  	_ =	shalt  }
0x4c: {  	_ =	shalt  }
0x4d: {  	_ =	shalt  }
0x4e: {  	_ =	shalt  }
0x4f: {  	_ =	shalt  }
0x50: {  	_ =	shalt  }
0x51: {  	_ =	shalt  }
0x52: {  	_ =	shalt  }
0x53: {  	_ =	shalt  }
0x54: {  	_ =	shalt  }
0x55: {  	_ =	shalt  }
0x56: {  	_ =	shalt  }
0x57: {  	_ =	shalt  }
0x58: {  	_ =	shalt  }
0x59: {  	_ =	shalt  }
0x5a: {  	_ =	shalt  }
0x5b: {  	_ =	shalt  }
0x5c: {  	_ =	shalt  }
0x5d: {  	_ =	shalt  }
0x5e: {  	_ =	shalt  }
0x5f: {  	_ =	shalt  }
0x60: {  	_ =	shalt  }
0x61: {  	_ =	shalt  }
0x62: {  	_ =	shalt  }
0x63: {  	_ =	shalt  }
0x64: {  	_ =	shalt  }
0x65: {  	_ =	shalt  }
0x66: {  	_ =	shalt  }
0x67: {  	_ =	shalt  }
0x68: {  	_ =	shalt  }
0x69: {  	_ =	shalt  }
0x6a: {  	_ =	shalt  }
0x6b: {  	_ =	shalt  }
0x6c: {  	_ =	shalt  }
0x6d: {  	_ =	shalt  }
0x6e: {  	_ =	shalt  }
0x6f: {  	_ =	shalt  }
0x70: {  	_ =	shalt  }
0x71: {  	_ =	shalt  }
0x72: {  	_ =	shalt  }
0x73: {  	_ =	shalt  }
0x74: {  	_ =	shalt  }
0x75: {  	_ =	shalt  }
0x76: {  	_ =	shalt  }
0x77: {  	_ =	shalt  }
0x78: {  	_ =	shalt  }
0x79: {  	_ =	shalt  }
0x7a: {  	_ =	shalt  }
0x7b: {  	_ =	shalt  }
0x7c: {  	_ =	shalt  }
0x7d: {  	_ =	shalt  }
0x7e: {  	_ =	shalt  }
0x7f: {  	_ =	shalt  }
0x80: {  	_ =	shalt  }
0x81: {  	_ =	shalt  }
0x82: {  	_ =	shalt  }
0x83: {  	_ =	shalt  }
0x84: {  	_ =	shalt  }
0x85: {  	_ =	shalt  }
0x86: {  	_ =	shalt  }
0x87: {  	_ =	shalt  }
.Lfunc_end0:
.L_simem_size_0:
called_computation_lowered:
.L_overlay_start_0:
0x88: {  	s2 =	sld [smem:$0x3FD9]  }
0x89: {  	s3 =	sld [smem:$0x3FFE];
	_ =	sdelay $0x1  }
0x8a: {  	s1 =	srdreg.scid  }
0x8b: {  	s0 =	sand.u32 $0x1, s1  }
0x8c: {  	s14 =	sshll.u32 s0, $0xA;
	s2 =	sadd.s32 s3, s2  }
0x8d: {  	s2 =	sadd.s32 s2, s14  }
0x8e: {  	[smem:$0x3FBC] =	sst s2  }
0x8f: {  	_ = 	snop  }
0x90: {  	s2 =	sld [smem:$0x3FD0];
	_ =	sdelay $0x2  }
0x91: {  	s15 =	simm.s32 $0xA;
	s4 =	simm.s32 $0x10  }
0x92: {  	[smem:s4], [sflag:s15] =	dma.local [hbm:s2], $0x1  }
0x93: {  	_ =	swait.eq [sflag:s15], $0x1  }
0x94: {  	[sflag:s15] =	ssyncset.done $0x0  }
0x95: {  	[sflag:s15] =	ssyncadd.s32 $0xFFFFFFFF  }
0x96: {  	s16 =	sld [smem:$0x11];
	(tm) =	ssettm $0x1  }
0x97: {  	s17 =	sld [smem:$0x3FFB];
	_ =	sdelay $0x3  }
0x98: {  	_ =	strace s17  }
0x99: {  	s3 =	sld [smem:$0x3FFC];
	_ =	sdelay $0x3  }
0x9a: {  	_ =	strace s3  }
0x9b: {  	s3 =	sld [smem:$0x3FFD];
	_ =	sdelay $0x3  }
0x9c: {  	_ =	strace s3  }
0x9d: {  	_ =	strace $0x8FFFFFFF  }
0x9e: {  	s18 =	sld [smem:$0x3FDB];
	_ =	sdelay $0x1  }
0x9f: {  	s19 =	simm.s32 $_scs_section_size  }
0xa0: {  	s5 =	simm.s32 $_size__tile_overlayer_lowered;
	s6 =	simm.s32 $_tile_overlayer_lowered  }
0xa1: {  	s22 =	simm.s32 $0x1BFF;
	s21 =	sshll.u32 s6, $0x1;
	s3 =	sadd.s32 s19, s18  }
0xa2: {  	s7 =	simm.s32 $0x0;
	s20 =	sshll.u32 s5, $0x1;
	s5 =	sadd.s32 s21, s3  }
0xa3: {  	[timem:s7], [sflag:s22] =	dma.local [hbm:s5], s20  }
0xa4: {  	_ =	swait.ge [sflag:s22], s20  }
0xa5: {  	s4 =	ssub.s32 $0x0, s20;
	[sflag:s22] =	ssyncset.done $0x0  }
0xa6: {  	[sflag:s22] =	ssyncadd.s32 s4;
	_ =	sdelay $0x1  }
0xa7: {  	s23 =	simm.s32 $0x1B8B  }
0xa8: {  	_ =	swait.ge [sflag:s23], $0x1  }
0xa9: {  	[sflag:s23] =	ssyncset.done $0x0  }
0xaa: {  	s25 =	simm.s32 $0x1B8E;
	s24 =	sld [smem:$0x3FFE];
	[sflag:s23] =	ssyncadd.s32 $0xFFFFFFFF  }
0xab: {  	s26 =	simm.s32 $execute0_lowered;
	[smem:$0x3FD2] =	sst s25  }
0xac: {  	s5 =	sshll.u32 s26, $0x1;
	_ =	strace $0x80000046;
	[dreg:$0x1] =	wrdreg $0xFFFFFFFF  }
0xad: {  	s28 =	simm.s32 $_size_execute0_lowered;
	s3 =	sadd.s32 s3, s5;
	[dreg:$0x0] =	wrdreg $0x0  }
0xae: {  	s5 =	sshll.u32 s28, $0x1;
	[dreg:$0x2] =	wrdreg s3  }
0xaf: {  	[dreg:$0x3] =	wrdreg s5  }
0xb0: {  	[dreg:$0x4] =	wrdreg $0xC0  }
0xb1: {  	_ =	task [dreg:s7], $0x5FFFF  }
0xb2: {  	[dreg:$0x1] =	wrdreg $0xFFFFFFFF  }
0xb3: {  	[dreg:$0x0] =	wrdreg $0x60  }
0xb4: {  	[dreg:$0x2] =	wrdreg s24  }
0xb5: {  	[dreg:$0x3] =	wrdreg s16  }
0xb6: {  	[dreg:$0x4] =	wrdreg $0x9  }
0xb7: {  	_ =	task.clear_ibuf [dreg:s7], $0x5FFFF;
	_ =	strace $0x90000046  }
0xb8: {  	s29 =	simm.s32 $0x9;
	_ =	strace $0x80000048  }
0xb9: {  	_ =	swait.ge [sflag:s29], $0x1  }
0xba: {  	[sflag:s29] =	ssyncadd.s32 $0xFFFFFFFF  }
0xbb: {  	_ =	strace $0x90000048  }
0xbc: {  	_ =	sfence  }
0xbd: {  	s30 =	sld [smem:$0x0];
	_ =	sdelay $0x2  }
0xbe: {  	s31 =	sshll.u32 s1, $0xD;
	s1 =	sshrl.u32 s1, $0x2  }
0xbf: {  	s3 =	sand.u32 $0x4000, s31;
	s1 =	sadd.s32 s1, s30  }
0xc0: {  	s0 =	sor.u32 s3, s0;
	s1 =	sshll.u32 s1, $0x11  }
0xc1: {  	s0 =	sor.u32 s1, s0  }
0xc2: {  	s0 =	sadd.s32 $0x8F2B, s0  }
0xc3: {  	[sflag:s0] =	ssyncadd.remote.s32 $0x1  }
0xc4: {  	_ =	sfence.sel $0xFFFF  }
0xc5: {  	[dreg:$0x0] =	wrdreg $0xFFFFFFFF;
	(pc) =	sbr.abs _section_cstart, $3  }
0xc6: {  	[dreg:$0x1] =	wrdreg $0xFFFFFFFF  }
0xc7: {  	_ =	task.clear_ibuf [dreg:s7], $0x2FFFF;
	_ =	strace $0x9FFFFFFF  }
0xc8: {  	(tm) =	ssettm $0x7FFFFFFF  }
0xc9: {  	_ =	shalt  }
tec
execute0_lowered:
.L_overlay_start_1:
0x0: {  	(tag) =	ssettag $0x1  }
0x1: {  	s6 =	rddreg [dreg:$0x0];
	s1 =	srdreg.scid  }
0x2: {  	s0 =	stileid.u32;
	s2 =	rddreg [dreg:$0x1];
	s3 =	simm.s32 $0x0  }
0x3: {  	s11 =	simm.s32 $0x2780;
	s12 =	simm.s32 $0x4F00;
	s13 =	simm.s32 $0x7680  }
0x4: {  	s14 =	simm.s32 $0x9E00;
	s5 =	sand.u32 $0x1, s1;
	s4 =	sshll.u32 s0, $0x1  }
0x5: {  	s15 =	simm.s32 $0xC580;
	s1 =	rddreg [dreg:$0x2];
	s4 =	sor.u32 s5, s4  }
0x6: {  	s16 =	simm.s32 $0x0;
	[smem:$0x7FF] =	sst s3;
	s7 =	smul.u32 $0x4E2, s4  }
0x7: {  	_ =	strace $0x80000047;
	s8 =	ssub.s32 $0x2, s5;
	s5 =	sadd.s32 $0x14000, s6  }
0x8: {  	s4 =	sadd.s32 $0x14600, s6;
	s31 =	sshrl.u32 s8, $0x1;
	s9 =	sadd.s32 s7, s6  }
0x9: {  	s10 =	ssub.s32 s8, s31;
	s6 =	sadd.s32 $0xA200, s9;
	s7 =	sadd.s32 $0x400, s9  }
0xa: {  	s8 =	sadd.s32 $0x14C00, s9;
	s9 =	smax.u32 s10, $0x1;
	s10 =	simm.s32 $0x1  }
.LBB2_1:
0xb: {  	[tilespmem:s3], [sflag:$0x1] =	stream.linear.gather [hbm4b:s4+s3], $0x2780, $0x38;
	[tilespmem:$0xED00] =	vst v63  }
0xc: {  	_ =	swait.ge [sflag:s10], $0x2780  }
0xd: {  	[sflag:s10] =	ssyncset.done $0x0  }
0xe: {  	[sflag:s10] =	ssyncadd.s32 $0xFFFFD880  }
0xf: {  	[tilespmem:s11], [sflag:$0x1] =	stream.linear.gather [hbm4b:s5+s3], $0x2780, $0x38;
	[tilespmem:$0xED00] =	vst v63  }
0x10: {  	_ =	swait.ge [sflag:s10], $0x2780  }
0x11: {  	[sflag:s10] =	ssyncset.done $0x0  }
0x12: {  	[sflag:s10] =	ssyncadd.s32 $0xFFFFD880  }
0x13: {  	[tilespmem:s12], [sflag:$0x1] =	stream.linear.gather [hbm4b:s2+s3], $0x2780, $0x38;
	[tilespmem:$0xED00] =	vst v63  }
0x14: {  	_ =	swait.ge [sflag:s10], $0x2780  }
0x15: {  	[sflag:s10] =	ssyncset.done $0x0  }
0x16: {  	[sflag:s10] =	ssyncadd.s32 $0xFFFFD880  }
0x17: {  	[tilespmem:s13], [sflag:$0x1] =	stream.linear.gather [hbm4b:s6+s3], $0x2710, $0x38;
	[tilespmem:$0xED00] =	vst v63  }
0x18: {  	_ =	swait.ge [sflag:s10], $0x2710  }
0x19: {  	[sflag:s10] =	ssyncset.done $0x0  }
0x1a: {  	[sflag:s10] =	ssyncadd.s32 $0xFFFFD8F0  }
0x1b: {  	[tilespmem:s14], [sflag:$0x1] =	stream.linear.gather [hbm4b:s7+s3], $0x2710, $0x38;
	[tilespmem:$0xED00] =	vst v63  }
0x1c: {  	_ =	swait.ge [sflag:s10], $0x2710  }
0x1d: {  	[sflag:s10] =	ssyncset.done $0x0  }
0x1e: {  	s17 =	simm.s32 $0x0;
	[sflag:s10] =	ssyncadd.s32 $0xFFFFD8F0  }
0x1f: {  	v0 =	vld [tilespmem:s17+$0x9E00]  }
0x20: {  	v1 =	vld [tilespmem:s17+$0x7680];
	_ =	sdelay $0x6  }
0x21: {  	v2 =	vld.idx.msk [tilespmem:v0+s3+$0x0], $0xffff  }
0x22: {  	v3 =	vld.idx.msk [tilespmem:v1+s3+$0x0], $0xffff  }
0x23: {  	v4 =	vld.idx.msk [tilespmem:v1+s11+$0x0], $0xffff  }
0x24: {  	v5 =	vld.idx.msk [tilespmem:v0+s11+$0x0], $0xffff  }
0x25: {  	v6 =	vld.idx.msk [tilespmem:v1+s12+$0x0], $0xffff  }
0x26: {  	v7 =	vld.idx.msk [tilespmem:v0+s12+$0x0], $0xffff;
	_ =	sdelay $0x2  }
0x27: {  	s18 =	simm.s32 $0x10;
	v3 =	vsub.f32 v3, v2;
	v4 =	vsub.f32 v4, v5  }
0x28: {  	v0 =	vld [tilespmem:s18+$0x9E00]  }
0x29: {  	v1 =	vld [tilespmem:s18+$0x7680];
	v2 =	vsub.f32 v6, v7;
	v3 =	vmul.f32 v3, v3;
	v4 =	vmul.f32 v4, v4  }
0x2a: {  	s19 =	simm.s32 $0x80  }
.LBB2_2:
0x2b: {  	p0 =	sne.s32 s19, $0x9C00;
	v3 =	vadd.f32 v4, v3;
	v2 =	vmul.f32 v2, v2;
	_ =	sdelay $0x1  }
0x2c: {  	v2 =	vadd.f32 v2, v3;
	_ =	sdelay $0x1  }
0x2d: {  	[tilespmem:s17+$0xC580] =	vst v2;
	s17 =	smov.u32 s18  }
0x2e: {  	v2 =	vld.idx.msk [tilespmem:v0+s3+$0x0], $0xffff  }
0x2f: {  	v3 =	vld.idx.msk [tilespmem:v1+s3+$0x0], $0xffff  }
0x30: {  	v4 =	vld.idx.msk [tilespmem:v1+s11+$0x0], $0xffff  }
0x31: {  	v5 =	vld.idx.msk [tilespmem:v0+s11+$0x0], $0xffff  }
0x32: {  	v6 =	vld.idx.msk [tilespmem:v1+s12+$0x0], $0xffff  }
0x33: {  	v7 =	vld.idx.msk [tilespmem:v0+s12+$0x0], $0xffff;
	_ =	sdelay $0x2  }
.Ltmp0:
0x34: {  	(pc) =	sbr.rel @p0 .LBB2_2-.Ltmp0, $4  }
0x35: {  	s18 =	sshra.s32 s19, $0x2;
	v3 =	vsub.f32 v3, v2;
	v4 =	vsub.f32 v4, v5  }
0x36: {  	v0 =	vld [tilespmem:s18+$0x9E00]  }
0x37: {  	v3 =	vmul.f32 v3, v3;
	v2 =	vsub.f32 v6, v7;
	v4 =	vmul.f32 v4, v4;
	v1 =	vld [tilespmem:s18+$0x7680]  }
0x38: {  	s19 =	sadd.s32 $0x40, s19  }
0x39: {  	_ = 	snop  }
0x3a: {  	v3 =	vadd.f32 v4, v3;
	v2 =	vmul.f32 v2, v2;
	_ =	sdelay $0x1  }
0x3b: {  	v2 =	vadd.f32 v2, v3;
	_ =	sdelay $0x1  }
0x3c: {  	[tilespmem:s17+$0xC580] =	vst v2  }
0x3d: {  	v2 =	vld.idx.msk [tilespmem:v0+s3+$0x0], $0xffff  }
0x3e: {  	v57 =	vld.idx.msk [tilespmem:v1+s3+$0x0], $0xffff  }
0x3f: {  	v58 =	vld.idx.msk [tilespmem:v1+s11+$0x0], $0xffff  }
0x40: {  	v5 =	vld.idx.msk [tilespmem:v0+s11+$0x0], $0xffff  }
0x41: {  	v59 =	vld.idx.msk [tilespmem:v1+s12+$0x0], $0xffff  }
0x42: {  	v60 =	vld.idx.msk [tilespmem:v0+s12+$0x0], $0xffff;
	_ =	sdelay $0x2  }
0x43: {  	v2 =	vsub.f32 v57, v2;
	v61 =	vsub.f32 v58, v5;
	_ =	sdelay $0x1  }
0x44: {  	v0 =	vsub.f32 v59, v60;
	v62 =	vmul.f32 v2, v2;
	v63 =	vmul.f32 v61, v61;
	_ =	sdelay $0x1  }
0x45: {  	v0 =	vmul.f32 v0, v0;
	v1 =	vadd.f32 v63, v62;
	_ =	sdelay $0x1  }
0x46: {  	s16 =	sadd.s32 $0x1, s16;
	v0 =	vadd.f32 v0, v1  }
0x47: {  	p0 =	sne.s32 s16, s9  }
.Ltmp1:
0x48: {  	[tilespmem:s18+$0xC580] =	vst v0;
	(pc) =	sbr.rel @p0 .LBB2_1-.Ltmp1, $4  }
0x49: {  	[hbm4b:s8+s3] =	stream.linear.scatter [tilespmem:s15], [sflag:$0x1], $0x2710, $0x38;
	[tilespmem:$0xED00] =	vst v63  }
0x4a: {  	_ =	swait.ge [sflag:s10], $0x2710  }
0x4b: {  	[sflag:s10] =	ssyncset.done $0x0  }
0x4c: {  	[sflag:s10] =	ssyncadd.s32 $0xFFFFD8F0  }
0x4d: {  	_ =	sfence.sel $0x180000  }
0x4e: {  	[bflag:$0x0] =	sbarrier.arrive $0xFFFF  }
0x4f: {  	p0 =	sne.s32 s0, $0x0;
	_ =	strace $0x90000047  }
0x50: {  	s0 =	sadd.s32 @!p0 $0x100000, s1;
	[bflag:$0x2] =	sbarrier.arrive $0xFFFF  }
0x51: {  	[sflag:s0] =	ssyncadd.tile.s32 @!p0 $0x1;
	_ =	shalt  }
.Lfunc_end2:
_tile_overlayer_lowered:
.L_overlay_start_2:
0x52: {  	(tag) =	ssettag $0x2  }
0x53: {  	s0 =	rddreg [dreg:$0x0];
	s2 =	stileid.u32  }
0x54: {  	s1 =	rddreg [dreg:$0x1];
	p0 =	sne.s32 s2, $0x0  }
0x55: {  	s3 =	rddreg [dreg:$0x2];
	[bflag:$0x3] =	sbarrier.arrive $0xFFFF;
	s2 =	simm.s32 @!p0 $0x1C01  }
0x56: {  	[timem:s3], [sflag:s2] =	dma.local @!p0 [hbm:s0], s1  }
0x57: {  	s0 =	simm.s32 @!p0 $0x1  }
0x58: {  	_ =	swait.ge @!p0 [sflag:s0], s1  }
0x59: {  	s1 =	ssub.s32 @!p0 $0x0, s1;
	[sflag:s0] =	ssyncset.done @!p0 $0x0  }
0x5a: {  	[sflag:s0] =	ssyncadd.s32 @!p0 s1  }
0x5b: {  	[bflag:$0x3] =	sbarrier.arrive $0xFFFF  }
0x5c: {  	_ =	shalt  }

</sc_bundles>
